<compile_context>
chip_gen: v7x
topology: tpu7x:2x2x1
jax: 0.10.2.dev20260603
libtpu: 0.0.44.dev20260713+nightly
codegen_flags: <defaults>
</compile_context>

<pallas_src>
import jax
import jax.numpy as jnp
from jax import lax
from jax.experimental import pallas as pl
from jax.experimental.pallas import tpu as pltpu
from jax.experimental.pallas import tpu_sc as plsc

N_STARS = 1000000
BATCH = 16384
HIST = 200
EPS = 1e-3

TOTAL = BATCH * HIST
NC, NS, L = 2, 16, 16
NW = NC * NS
PER_W = TOTAL // NW
CHUNK = 10240
STEPS = PER_W // CHUNK
UNROLL = 8


def _combine_body(h_ref, c_ref, o_ref):
    o_ref[...] = h_ref[...] + c_ref[...]


def _combine_tables(hard, corr):
    return pl.pallas_call(
        _combine_body,
        out_shape=jax.ShapeDtypeStruct(hard.shape, jnp.float32),
    )(hard, corr)


def _sc_gather_mod(freq_flat, idx_flat, table):
    mesh = plsc.VectorSubcoreMesh(core_axis_name="c", subcore_axis_name="s")

    @pl.kernel(
        out_type=jax.ShapeDtypeStruct((TOTAL,), jnp.float32),
        mesh=mesh,
        scratch_types=[
            pltpu.VMEM((CHUNK,), jnp.int32),
            pltpu.VMEM((CHUNK,), jnp.int32),
            pltpu.VMEM((CHUNK,), jnp.float32),
            pltpu.VMEM((CHUNK,), jnp.float32),
            pltpu.VMEM((CHUNK,), jnp.float32),
            pltpu.VMEM((CHUNK,), jnp.float32),
            pltpu.VMEM_SHARED((N_STARS,), jnp.float32),
            pltpu.SemaphoreType.DMA,
            pltpu.SemaphoreType.DMA,
            pltpu.SemaphoreType.DMA,
            pltpu.SemaphoreType.DMA,
            pltpu.SemaphoreType.DMA,
            pltpu.SemaphoreType.DMA,
            pltpu.SemaphoreType.DMA,
            pltpu.SemaphoreType.DMA,
        ],
    )
    def k(freq_hbm, idx_hbm, tab_hbm, out_hbm,
          idx_v0, idx_v1, freq_v0, freq_v1, delta_v0, delta_v1, tab_s,
          s_idx0, s_idx1, s_freq0, s_freq1, s_g0, s_g1, s_out0, s_out1):
        sid = lax.axis_index("s")
        wid = sid * NC + lax.axis_index("c")
        base = wid * PER_W
        idx_v = (idx_v0, idx_v1)
        freq_v = (freq_v0, freq_v1)
        delta_v = (delta_v0, delta_v1)
        s_idx = (s_idx0, s_idx1)
        s_freq = (s_freq0, s_freq1)
        s_g = (s_g0, s_g1)
        s_out = (s_out0, s_out1)

        def start_in(s, b):
            off = base + s * CHUNK
            pltpu.async_copy(idx_hbm.at[pl.ds(off, CHUNK)], idx_v[b], s_idx[b])
            pltpu.async_copy(freq_hbm.at[pl.ds(off, CHUNK)], freq_v[b], s_freq[b])

        def wait_in(s, b):
            off = base + s * CHUNK
            pltpu.make_async_copy(idx_hbm.at[pl.ds(off, CHUNK)], idx_v[b], s_idx[b]).wait()
            pltpu.make_async_copy(freq_hbm.at[pl.ds(off, CHUNK)], freq_v[b], s_freq[b]).wait()

        def start_gather(b):
            pltpu.async_copy(tab_s.at[idx_v[b]], delta_v[b], s_g[b])

        def wait_gather(b):
            pltpu.make_async_copy(tab_s.at[idx_v[b]], delta_v[b], s_g[b]).wait()

        def start_out(s, b):
            off = base + s * CHUNK
            pltpu.async_copy(delta_v[b], out_hbm.at[pl.ds(off, CHUNK)], s_out[b])

        def wait_out(s, b):
            off = base + s * CHUNK
            pltpu.make_async_copy(delta_v[b], out_hbm.at[pl.ds(off, CHUNK)], s_out[b]).wait()

        def compute(b):
            @pl.loop(0, CHUNK, step=L * UNROLL)
            def _(i):
                for u in range(UNROLL):
                    slc = pl.ds(i + u * L, L)
                    d = jnp.maximum(delta_v[b][slc], EPS)
                    delta_v[b][slc] = lax.rem(freq_v[b][slc], d)

        start_in(0, 0)
        start_in(1, 1)

        @pl.when(sid == 0)
        def _():
            pltpu.sync_copy(tab_hbm, tab_s)

        plsc.subcore_barrier()

        wait_in(0, 0)
        start_gather(0)

        @pl.loop(0, STEPS // 2)
        def _(h):
            s0 = 2 * h

            wait_gather(0)
            wait_in(s0 + 1, 1)

            @pl.when(s0 >= 2)
            def _():
                wait_out(s0 - 1, 1)

            start_gather(1)
            compute(0)
            start_out(s0, 0)

            @pl.when(s0 + 2 < STEPS)
            def _():
                start_in(s0 + 2, 0)

            wait_gather(1)

            @pl.when(s0 + 2 < STEPS)
            def _():
                wait_in(s0 + 2, 0)
                wait_out(s0, 0)
                start_gather(0)

            compute(1)
            start_out(s0 + 1, 1)

            @pl.when(s0 + 2 < STEPS)
            def _():
                start_in(s0 + 3, 1)

        wait_out(STEPS - 2, 0)
        wait_out(STEPS - 1, 1)

    return k(freq_flat, idx_flat, table)


@jax.jit
def kernel(frequencies, star_indices, delta_nu_hard, delta_nu_corr):
    table = _combine_tables(delta_nu_hard, delta_nu_corr)
    out_flat = _sc_gather_mod(
        frequencies.reshape(-1), star_indices.reshape(-1), table
    )
    return out_flat.reshape(BATCH, HIST)

# --- scband reference (transcript-rebuilt; emitter-appended) ---
"""Pipeline reference for scband-delta-nu-correction-14388140441880 (READ-ONLY COPY).

The authoritative reference and input builder live on the scoring server;
editing this copy changes nothing except your own understanding.
"""

import jax, jax.numpy as jnp
import numpy as np

N_STARS = 1000000
BATCH = 16384
HIST = 200
EPS = 1e-3


def setup_inputs(seed: int = 0) -> dict:
    key = jax.random.key(seed)
    k1, k2, k3 = jax.random.split(key, 3)
    # frequencies: positive floats, realistic asteroseismic frequency range (muHz-ish scale)
    frequencies = jax.random.uniform(k1, (BATCH, HIST), dtype=jnp.float32) * 300.0
    # star indices into the per-star delta_nu tables
    star_indices = jax.random.randint(k2, (BATCH, HIST), 0, N_STARS, dtype=jnp.int32)
    # buffer: hard-coded delta_nu per star (strictly positive)
    delta_nu_hard = jax.random.uniform(k3, (N_STARS,), dtype=jnp.float32) * 20.0 + 0.5
    # learned correction parameter, initialized to zeros (matches nn.Parameter(torch.zeros_like(...)))
    delta_nu_corr = jnp.zeros((N_STARS,), dtype=jnp.float32)
    return {
        "frequencies": frequencies,
        "star_indices": star_indices,
        "delta_nu_hard": delta_nu_hard,
        "delta_nu_corr": delta_nu_corr,
    }


def reference(frequencies, star_indices, delta_nu_hard, delta_nu_corr):
    # gather per-star delta_nu (buffer + learned correction), clamp to eps
    delta = jnp.take(delta_nu_hard, star_indices, axis=0) + jnp.take(delta_nu_corr, star_indices, axis=0)
    delta = jnp.maximum(delta, EPS)
    # torch.remainder and jnp.remainder both take the sign of the divisor -> faithful
    mod_freq = jnp.remainder(frequencies, delta)
    return mod_freq

if __name__ == "__main__":
    import jax
    _d = setup_inputs()
    print(jax.jit(kernel)(*tuple(_d.values())))

</pallas_src>

<mosaic_0001>
#map = affine_map<(d0, d1) -> (0)>
module attributes {stable_mosaic.version = 14 : i64} {
  func.func @k(%arg0: i32, %arg1: i32, %arg2: memref<3276800xf32, #tpu.memory_space<hbm>>, %arg3: memref<3276800xi32, #tpu.memory_space<hbm>>, %arg4: memref<1000000xf32, #tpu.memory_space<hbm>>, %arg5: memref<3276800xf32, #tpu.memory_space<hbm>>, %arg6: memref<10240xi32, #tpu.memory_space<vmem>>, %arg7: memref<10240xi32, #tpu.memory_space<vmem>>, %arg8: memref<10240xf32, #tpu.memory_space<vmem>>, %arg9: memref<10240xf32, #tpu.memory_space<vmem>>, %arg10: memref<10240xf32, #tpu.memory_space<vmem>>, %arg11: memref<10240xf32, #tpu.memory_space<vmem>>, %arg12: memref<1000000xf32, #tpu.memory_space<vmem_shared>>, %arg13: memref<!tpu.dma_semaphore, #tpu.memory_space<semaphore_mem>>, %arg14: memref<!tpu.dma_semaphore, #tpu.memory_space<semaphore_mem>>, %arg15: memref<!tpu.dma_semaphore, #tpu.memory_space<semaphore_mem>>, %arg16: memref<!tpu.dma_semaphore, #tpu.memory_space<semaphore_mem>>, %arg17: memref<!tpu.dma_semaphore, #tpu.memory_space<semaphore_mem>>, %arg18: memref<!tpu.dma_semaphore, #tpu.memory_space<semaphore_mem>>, %arg19: memref<!tpu.dma_semaphore, #tpu.memory_space<semaphore_mem>>, %arg20: memref<!tpu.dma_semaphore, #tpu.memory_space<semaphore_mem>>) attributes {dimension_semantics = [#tpu.dimension_semantics<core_parallel>, #tpu.dimension_semantics<subcore_parallel>], iteration_bounds = array<i64: 2, 16>, scalar_prefetch = 0 : i64, scratch_operands = 15 : i64, tpu.core_type = #tpu.core_type<sc_vector_subcore>, window_params = [{transform_indices = #map}, {transform_indices = #map}, {transform_indices = #map}, {transform_indices = #map}]} {
    %mul3A = arith.constant 2 : i32
    %mul3A_0 = arith.muli %arg1, %mul3A : i32
    %add3A = arith.addi %mul3A_0, %arg0 : i32
    %mul3A_1 = arith.constant 102400 : i32
    %mul3A_2 = arith.muli %add3A, %mul3A_1 : i32
    %add3A_3 = arith.constant 0 : i32
    %add3A_4 = arith.addi %mul3A_2, %add3A_3 : i32
    %dma_start3A = tpu.memref_slice %arg3[%add3A_4] : memref<3276800xi32, #tpu.memory_space<hbm>> -> memref<10240xi32, #tpu.memory_space<hbm>>
    %dma_start3A_5 = tpu.memref_slice %arg3[%add3A_4] : memref<3276800xi32, #tpu.memory_space<hbm>> -> memref<10240xi32, #tpu.memory_space<hbm>>
    tpu.enqueue_dma source(%dma_start3A_5 : memref<10240xi32, #tpu.memory_space<hbm>>) target(%arg6 : memref<10240xi32, #tpu.memory_space<vmem>>) target_semaphore(%arg13 : memref<!tpu.dma_semaphore, #tpu.memory_space<semaphore_mem>>)
    %dma_start3A_6 = tpu.memref_slice %arg2[%add3A_4] : memref<3276800xf32, #tpu.memory_space<hbm>> -> memref<10240xf32, #tpu.memory_space<hbm>>
    %dma_start3A_7 = tpu.memref_slice %arg2[%add3A_4] : memref<3276800xf32, #tpu.memory_space<hbm>> -> memref<10240xf32, #tpu.memory_space<hbm>>
    tpu.enqueue_dma source(%dma_start3A_7 : memref<10240xf32, #tpu.memory_space<hbm>>) target(%arg8 : memref<10240xf32, #tpu.memory_space<vmem>>) target_semaphore(%arg15 : memref<!tpu.dma_semaphore, #tpu.memory_space<semaphore_mem>>)
    %add3A_8 = arith.constant 10240 : i32
    %add3A_9 = arith.addi %mul3A_2, %add3A_8 : i32
    %dma_start3A_10 = tpu.memref_slice %arg3[%add3A_9] : memref<3276800xi32, #tpu.memory_space<hbm>> -> memref<10240xi32, #tpu.memory_space<hbm>>
    %dma_start3A_11 = tpu.memref_slice %arg3[%add3A_9] : memref<3276800xi32, #tpu.memory_space<hbm>> -> memref<10240xi32, #tpu.memory_space<hbm>>
    tpu.enqueue_dma source(%dma_start3A_11 : memref<10240xi32, #tpu.memory_space<hbm>>) target(%arg7 : memref<10240xi32, #tpu.memory_space<vmem>>) target_semaphore(%arg14 : memref<!tpu.dma_semaphore, #tpu.memory_space<semaphore_mem>>)
    %dma_start3A_12 = tpu.memref_slice %arg2[%add3A_9] : memref<3276800xf32, #tpu.memory_space<hbm>> -> memref<10240xf32, #tpu.memory_space<hbm>>
    %dma_start3A_13 = tpu.memref_slice %arg2[%add3A_9] : memref<3276800xf32, #tpu.memory_space<hbm>> -> memref<10240xf32, #tpu.memory_space<hbm>>
    tpu.enqueue_dma source(%dma_start3A_13 : memref<10240xf32, #tpu.memory_space<hbm>>) target(%arg9 : memref<10240xf32, #tpu.memory_space<vmem>>) target_semaphore(%arg16 : memref<!tpu.dma_semaphore, #tpu.memory_space<semaphore_mem>>)
    %eq3A = arith.constant 0 : i32
    %eq3A_14 = arith.cmpi eq, %arg1, %eq3A : i32
    %convert_element_type3A = arith.extui %eq3A_14 : i1 to i32
    %cond3A = arith.constant 0 : i32
    %cond3A_15 = arith.cmpi ne, %convert_element_type3A, %cond3A : i32
    scf.if %cond3A_15 {
      "tpu.region"() ({
        %run_scoped3A = tpu.sem_alloc : memref<!tpu.dma_semaphore, #tpu.memory_space<semaphore_mem>>
        tpu.enqueue_dma source(%arg4 : memref<1000000xf32, #tpu.memory_space<hbm>>) target(%arg12 : memref<1000000xf32, #tpu.memory_space<vmem_shared>>) target_semaphore(%run_scoped3A : memref<!tpu.dma_semaphore, #tpu.memory_space<semaphore_mem>>)
        tpu.wait_dma2 semaphore(%run_scoped3A : memref<!tpu.dma_semaphore, #tpu.memory_space<semaphore_mem>>) src(%arg4 : memref<1000000xf32, #tpu.memory_space<hbm>>) dst(%arg12 : memref<1000000xf32, #tpu.memory_space<vmem_shared>>)
        tpu.yield
      }) : () -> ()
    } else {
    }
    %barrier3A = arith.constant 0 : index
    tpu.barrier barrier_id(%barrier3A)
    %add3A_16 = arith.constant 0 : i32
    %add3A_17 = arith.addi %mul3A_2, %add3A_16 : i32
    %dma_wait3A = tpu.memref_slice %arg3[%add3A_17] : memref<3276800xi32, #tpu.memory_space<hbm>> -> memref<10240xi32, #tpu.memory_space<hbm>>
    %dma_wait3A_18 = tpu.memref_slice %arg3[%add3A_17] : memref<3276800xi32, #tpu.memory_space<hbm>> -> memref<10240xi32, #tpu.memory_space<hbm>>
    tpu.wait_dma2 semaphore(%arg13 : memref<!tpu.dma_semaphore, #tpu.memory_space<semaphore_mem>>) src(%dma_wait3A_18 : memref<10240xi32, #tpu.memory_space<hbm>>) dst(%arg6 : memref<10240xi32, #tpu.memory_space<vmem>>)
    %dma_wait3A_19 = tpu.memref_slice %arg2[%add3A_17] : memref<3276800xf32, #tpu.memory_space<hbm>> -> memref<10240xf32, #tpu.memory_space<hbm>>
    %dma_wait3A_20 = tpu.memref_slice %arg2[%add3A_17] : memref<3276800xf32, #tpu.memory_space<hbm>> -> memref<10240xf32, #tpu.memory_space<hbm>>
    tpu.wait_dma2 semaphore(%arg15 : memref<!tpu.dma_semaphore, #tpu.memory_space<semaphore_mem>>) src(%dma_wait3A_20 : memref<10240xf32, #tpu.memory_space<hbm>>) dst(%arg8 : memref<10240xf32, #tpu.memory_space<vmem>>)
    %dma_start3A_21 = arith.constant 0 : i32
    %dma_start3A_22 = tpu.memref_slice %arg12[%dma_start3A_21] : memref<1000000xf32, #tpu.memory_space<vmem_shared>> -> memref<1000000xf32, #tpu.memory_space<vmem_shared>>
    tpu.enqueue_indirect_dma source(%dma_start3A_22 : memref<1000000xf32, #tpu.memory_space<vmem_shared>>) target(%arg10 : memref<10240xf32, #tpu.memory_space<vmem>>) offsets(%arg6 : memref<10240xi32, #tpu.memory_space<vmem>>) semaphore(%arg17 : memref<!tpu.dma_semaphore, #tpu.memory_space<semaphore_mem>>)
    %scan3A = arith.constant 0 : i32
    %scan3A_23 = arith.constant 5 : i32
    %scan3A_24 = arith.addi %scan3A, %scan3A_23 : i32
    %scan3A_25 = arith.constant 1 : i32
    scf.for %scan3A_35 = %scan3A to %scan3A_24 step %scan3A_25  : i32 {
      %mul3A_36 = arith.constant 1 : i32
      %mul3A_37 = arith.muli %scan3A_35, %mul3A_36 : i32
      %add3A_38 = arith.constant 0 : i32
      %add3A_39 = arith.addi %add3A_38, %mul3A_37 : i32
      %mul3A_40 = arith.constant 2 : i32
      %mul3A_41 = arith.muli %mul3A_40, %add3A_39 : i32
      %dma_wait3A_42 = arith.constant 0 : i32
      %dma_wait3A_43 = tpu.memref_slice %arg12[%dma_wait3A_42] : memref<1000000xf32, #tpu.memory_space<vmem_shared>> -> memref<1000000xf32, #tpu.memory_space<vmem_shared>>
      tpu.wait_indirect_dma semaphore(%arg17 : memref<!tpu.dma_semaphore, #tpu.memory_space<semaphore_mem>>) src(%dma_wait3A_43 : memref<1000000xf32, #tpu.memory_space<vmem_shared>>) dst(%arg10 : memref<10240xf32, #tpu.memory_space<vmem>>)
      %add3A_44 = arith.constant 1 : i32
      %add3A_45 = arith.addi %mul3A_41, %add3A_44 : i32
      %mul3A_46 = arith.constant 10240 : i32
      %mul3A_47 = arith.muli %add3A_45, %mul3A_46 : i32
      %add3A_48 = arith.addi %mul3A_2, %mul3A_47 : i32
      %dma_wait3A_49 = tpu.memref_slice %arg3[%add3A_48] : memref<3276800xi32, #tpu.memory_space<hbm>> -> memref<10240xi32, #tpu.memory_space<hbm>>
      %dma_wait3A_50 = tpu.memref_slice %arg3[%add3A_48] : memref<3276800xi32, #tpu.memory_space<hbm>> -> memref<10240xi32, #tpu.memory_space<hbm>>
      tpu.wait_dma2 semaphore(%arg14 : memref<!tpu.dma_semaphore, #tpu.memory_space<semaphore_mem>>) src(%dma_wait3A_50 : memref<10240xi32, #tpu.memory_space<hbm>>) dst(%arg7 : memref<10240xi32, #tpu.memory_space<vmem>>)
      %dma_wait3A_51 = tpu.memref_slice %arg2[%add3A_48] : memref<3276800xf32, #tpu.memory_space<hbm>> -> memref<10240xf32, #tpu.memory_space<hbm>>
      %dma_wait3A_52 = tpu.memref_slice %arg2[%add3A_48] : memref<3276800xf32, #tpu.memory_space<hbm>> -> memref<10240xf32, #tpu.memory_space<hbm>>
      tpu.wait_dma2 semaphore(%arg16 : memref<!tpu.dma_semaphore, #tpu.memory_space<semaphore_mem>>) src(%dma_wait3A_52 : memref<10240xf32, #tpu.memory_space<hbm>>) dst(%arg9 : memref<10240xf32, #tpu.memory_space<vmem>>)
      %ge3A = arith.constant 2 : i32
      %ge3A_53 = arith.cmpi sge, %mul3A_41, %ge3A : i32
      %convert_element_type3A_54 = arith.extui %ge3A_53 : i1 to i32
      %cond3A_55 = arith.constant 0 : i32
      %cond3A_56 = arith.cmpi ne, %convert_element_type3A_54, %cond3A_55 : i32
      scf.if %cond3A_56 {
        %sub3A = arith.constant 1 : i32
        %sub3A_103 = arith.subi %mul3A_41, %sub3A : i32
        %mul3A_104 = arith.constant 10240 : i32
        %mul3A_105 = arith.muli %sub3A_103, %mul3A_104 : i32
        %add3A_106 = arith.addi %mul3A_2, %mul3A_105 : i32
        %dma_wait3A_107 = tpu.memref_slice %arg5[%add3A_106] : memref<3276800xf32, #tpu.memory_space<hbm>> -> memref<10240xf32, #tpu.memory_space<hbm>>
        %dma_wait3A_108 = tpu.memref_slice %arg5[%add3A_106] : memref<3276800xf32, #tpu.memory_space<hbm>> -> memref<10240xf32, #tpu.memory_space<hbm>>
        tpu.wait_dma2 semaphore(%arg20 : memref<!tpu.dma_semaphore, #tpu.memory_space<semaphore_mem>>) src(%arg11 : memref<10240xf32, #tpu.memory_space<vmem>>) dst(%dma_wait3A_108 : memref<10240xf32, #tpu.memory_space<hbm>>)
      } else {
      }
      %dma_start3A_57 = arith.constant 0 : i32
      %dma_start3A_58 = tpu.memref_slice %arg12[%dma_start3A_57] : memref<1000000xf32, #tpu.memory_space<vmem_shared>> -> memref<1000000xf32, #tpu.memory_space<vmem_shared>>
      tpu.enqueue_indirect_dma source(%dma_start3A_58 : memref<1000000xf32, #tpu.memory_space<vmem_shared>>) target(%arg11 : memref<10240xf32, #tpu.memory_space<vmem>>) offsets(%arg7 : memref<10240xi32, #tpu.memory_space<vmem>>) semaphore(%arg18 : memref<!tpu.dma_semaphore, #tpu.memory_space<semaphore_mem>>)
      %scan3A_59 = arith.constant 0 : i32
      %scan3A_60 = arith.constant 80 : i32
      %scan3A_61 = arith.addi %scan3A_59, %scan3A_60 : i32
      %scan3A_62 = arith.constant 1 : i32
      scf.for %scan3A_103 = %scan3A_59 to %scan3A_61 step %scan3A_62  : i32 {
        %mul3A_104 = arith.constant 128 : i32
        %mul3A_105 = arith.muli %scan3A_103, %mul3A_104 : i32
        %add3A_106 = arith.constant 0 : i32
        %add3A_107 = arith.addi %add3A_106, %mul3A_105 : i32
        %add3A_108 = arith.constant 0 : i32
        %add3A_109 = arith.addi %add3A_107, %add3A_108 : i32
        %get3A = arith.index_cast %add3A_109 : i32 to index
        %get3A_110 = tpu.vector_load %arg10[%get3A] {strides = array<i32>} : memref<10240xf32, #tpu.memory_space<vmem>>, vector<16xf32>,
        %get3A_111 = vector.shape_cast %get3A_110 : vector<16xf32> to vector<16xf32>
        %max3A = arith.constant 1.000000e-03 : f32
        %max3A_112 = vector.broadcast %max3A : f32 to vector<16xf32>
        %max3A_113 = arith.maximumf %get3A_111, %max3A_112 : vector<16xf32>
        %get3A_114 = arith.index_cast %add3A_109 : i32 to index
        %get3A_115 = tpu.vector_load %arg8[%get3A_114] {strides = array<i32>} : memref<10240xf32, #tpu.memory_space<vmem>>, vector<16xf32>,
        %get3A_116 = vector.shape_cast %get3A_115 : vector<16xf32> to vector<16xf32>
        %rem3A = arith.remf %get3A_116, %max3A_113 : vector<16xf32>
        %swap3A = arith.index_cast %add3A_109 : i32 to index
        %swap3A_117 = tpu.vector_load %arg10[%swap3A] {strides = array<i32>} : memref<10240xf32, #tpu.memory_space<vmem>>, vector<16xf32>,
        %swap3A_118 = vector.shape_cast %swap3A_117 : vector<16xf32> to vector<16xf32>
        %swap3A_119 = vector.shape_cast %rem3A : vector<16xf32> to vector<16xf32>
        tpu.vector_store %arg10[%swap3A], %swap3A_119 {strides = array<i32>} : memref<10240xf32, #tpu.memory_space<vmem>>, vector<16xf32>,
        %add3A_120 = arith.constant 16 : i32
        %add3A_121 = arith.addi %add3A_107, %add3A_120 : i32
        %get3A_122 = arith.index_cast %add3A_121 : i32 to index
        %get3A_123 = tpu.vector_load %arg10[%get3A_122] {strides = array<i32>} : memref<10240xf32, #tpu.memory_space<vmem>>, vector<16xf32>,
        %get3A_124 = vector.shape_cast %get3A_123 : vector<16xf32> to vector<16xf32>
        %max3A_125 = arith.constant 1.000000e-03 : f32
        %max3A_126 = vector.broadcast %max3A_125 : f32 to vector<16xf32>
        %max3A_127 = arith.maximumf %get3A_124, %max3A_126 : vector<16xf32>
        %get3A_128 = arith.index_cast %add3A_121 : i32 to index
        %get3A_129 = tpu.vector_load %arg8[%get3A_128] {strides = array<i32>} : memref<10240xf32, #tpu.memory_space<vmem>>, vector<16xf32>,
        %get3A_130 = vector.shape_cast %get3A_129 : vector<16xf32> to vector<16xf32>
        %rem3A_131 = arith.remf %get3A_130, %max3A_127 : vector<16xf32>
        %swap3A_132 = arith.index_cast %add3A_121 : i32 to index
        %swap3A_133 = tpu.vector_load %arg10[%swap3A_132] {strides = array<i32>} : memref<10240xf32, #tpu.memory_space<vmem>>, vector<16xf32>,
        %swap3A_134 = vector.shape_cast %swap3A_133 : vector<16xf32> to vector<16xf32>
        %swap3A_135 = vector.shape_cast %rem3A_131 : vector<16xf32> to vector<16xf32>
        tpu.vector_store %arg10[%swap3A_132], %swap3A_135 {strides = array<i32>} : memref<10240xf32, #tpu.memory_space<vmem>>, vector<16xf32>,
        %add3A_136 = arith.constant 32 : i32
        %add3A_137 = arith.addi %add3A_107, %add3A_136 : i32
        %get3A_138 = arith.index_cast %add3A_137 : i32 to index
        %get3A_139 = tpu.vector_load %arg10[%get3A_138] {strides = array<i32>} : memref<10240xf32, #tpu.memory_space<vmem>>, vector<16xf32>,
        %get3A_140 = vector.shape_cast %get3A_139 : vector<16xf32> to vector<16xf32>
        %max3A_141 = arith.constant 1.000000e-03 : f32
        %max3A_142 = vector.broadcast %max3A_141 : f32 to vector<16xf32>
        %max3A_143 = arith.maximumf %get3A_140, %max3A_142 : vector<16xf32>
        %get3A_144 = arith.index_cast %add3A_137 : i32 to index
        %get3A_145 = tpu.vector_load %arg8[%get3A_144] {strides = array<i32>} : memref<10240xf32, #tpu.memory_space<vmem>>, vector<16xf32>,
        %get3A_146 = vector.shape_cast %get3A_145 : vector<16xf32> to vector<16xf32>
        %rem3A_147 = arith.remf %get3A_146, %max3A_143 : vector<16xf32>
        %swap3A_148 = arith.index_cast %add3A_137 : i32 to index
        %swap3A_149 = tpu.vector_load %arg10[%swap3A_148] {strides = array<i32>} : memref<10240xf32, #tpu.memory_space<vmem>>, vector<16xf32>,
        %swap3A_150 = vector.shape_cast %swap3A_149 : vector<16xf32> to vector<16xf32>
        %swap3A_151 = vector.shape_cast %rem3A_147 : vector<16xf32> to vector<16xf32>
        tpu.vector_store %arg10[%swap3A_148], %swap3A_151 {strides = array<i32>} : memref<10240xf32, #tpu.memory_space<vmem>>, vector<16xf32>,
        %add3A_152 = arith.constant 48 : i32
        %add3A_153 = arith.addi %add3A_107, %add3A_152 : i32
        %get3A_154 = arith.index_cast %add3A_153 : i32 to index
        %get3A_155 = tpu.vector_load %arg10[%get3A_154] {strides = array<i32>} : memref<10240xf32, #tpu.memory_space<vmem>>, vector<16xf32>,
        %get3A_156 = vector.shape_cast %get3A_155 : vector<16xf32> to vector<16xf32>
        %max3A_157 = arith.constant 1.000000e-03 : f32
        %max3A_158 = vector.broadcast %max3A_157 : f32 to vector<16xf32>
        %max3A_159 = arith.maximumf %get3A_156, %max3A_158 : vector<16xf32>
        %get3A_160 = arith.index_cast %add3A_153 : i32 to index
        %get3A_161 = tpu.vector_load %arg8[%get3A_160] {strides = array<i32>} : memref<10240xf32, #tpu.memory_space<vmem>>, vector<16xf32>,
        %get3A_162 = vector.shape_cast %get3A_161 : vector<16xf32> to vector<16xf32>
        %rem3A_163 = arith.remf %get3A_162, %max3A_159 : vector<16xf32>
        %swap3A_164 = arith.index_cast %add3A_153 : i32 to index
        %swap3A_165 = tpu.vector_load %arg10[%swap3A_164] {strides = array<i32>} : memref<10240xf32, #tpu.memory_space<vmem>>, vector<16xf32>,
        %swap3A_166 = vector.shape_cast %swap3A_165 : vector<16xf32> to vector<16xf32>
        %swap3A_167 = vector.shape_cast %rem3A_163 : vector<16xf32> to vector<16xf32>
        tpu.vector_store %arg10[%swap3A_164], %swap3A_167 {strides = array<i32>} : memref<10240xf32, #tpu.memory_space<vmem>>, vector<16xf32>,
        %add3A_168 = arith.constant 64 : i32
        %add3A_169 = arith.addi %add3A_107, %add3A_168 : i32
        %get3A_170 = arith.index_cast %add3A_169 : i32 to index
        %get3A_171 = tpu.vector_load %arg10[%get3A_170] {strides = array<i32>} : memref<10240xf32, #tpu.memory_space<vmem>>, vector<16xf32>,
        %get3A_172 = vector.shape_cast %get3A_171 : vector<16xf32> to vector<16xf32>
        %max3A_173 = arith.constant 1.000000e-03 : f32
        %max3A_174 = vector.broadcast %max3A_173 : f32 to vector<16xf32>
        %max3A_175 = arith.maximumf %get3A_172, %max3A_174 : vector<16xf32>
        %get3A_176 = arith.index_cast %add3A_169 : i32 to index
        %get3A_177 = tpu.vector_load %arg8[%get3A_176] {strides = array<i32>} : memref<10240xf32, #tpu.memory_space<vmem>>, vector<16xf32>,
        %get3A_178 = vector.shape_cast %get3A_177 : vector<16xf32> to vector<16xf32>
        %rem3A_179 = arith.remf %get3A_178, %max3A_175 : vector<16xf32>
        %swap3A_180 = arith.index_cast %add3A_169 : i32 to index
        %swap3A_181 = tpu.vector_load %arg10[%swap3A_180] {strides = array<i32>} : memref<10240xf32, #tpu.memory_space<vmem>>, vector<16xf32>,
        %swap3A_182 = vector.shape_cast %swap3A_181 : vector<16xf32> to vector<16xf32>
        %swap3A_183 = vector.shape_cast %rem3A_179 : vector<16xf32> to vector<16xf32>
        tpu.vector_store %arg10[%swap3A_180], %swap3A_183 {strides = array<i32>} : memref<10240xf32, #tpu.memory_space<vmem>>, vector<16xf32>,
        %add3A_184 = arith.constant 80 : i32
        %add3A_185 = arith.addi %add3A_107, %add3A_184 : i32
        %get3A_186 = arith.index_cast %add3A_185 : i32 to index
        %get3A_187 = tpu.vector_load %arg10[%get3A_186] {strides = array<i32>} : memref<10240xf32, #tpu.memory_space<vmem>>, vector<16xf32>,
        %get3A_188 = vector.shape_cast %get3A_187 : vector<16xf32> to vector<16xf32>
        %max3A_189 = arith.constant 1.000000e-03 : f32
        %max3A_190 = vector.broadcast %max3A_189 : f32 to vector<16xf32>
        %max3A_191 = arith.maximumf %get3A_188, %max3A_190 : vector<16xf32>
        %get3A_192 = arith.index_cast %add3A_185 : i32 to index
        %get3A_193 = tpu.vector_load %arg8[%get3A_192] {strides = array<i32>} : memref<10240xf32, #tpu.memory_space<vmem>>, vector<16xf32>,
        %get3A_194 = vector.shape_cast %get3A_193 : vector<16xf32> to vector<16xf32>
        %rem3A_195 = arith.remf %get3A_194, %max3A_191 : vector<16xf32>
        %swap3A_196 = arith.index_cast %add3A_185 : i32 to index
        %swap3A_197 = tpu.vector_load %arg10[%swap3A_196] {strides = array<i32>} : memref<10240xf32, #tpu.memory_space<vmem>>, vector<16xf32>,
        %swap3A_198 = vector.shape_cast %swap3A_197 : vector<16xf32> to vector<16xf32>
        %swap3A_199 = vector.shape_cast %rem3A_195 : vector<16xf32> to vector<16xf32>
        tpu.vector_store %arg10[%swap3A_196], %swap3A_199 {strides = array<i32>} : memref<10240xf32, #tpu.memory_space<vmem>>, vector<16xf32>,
        %add3A_200 = arith.constant 96 : i32
        %add3A_201 = arith.addi %add3A_107, %add3A_200 : i32
        %get3A_202 = arith.index_cast %add3A_201 : i32 to index
        %get3A_203 = tpu.vector_load %arg10[%get3A_202] {strides = array<i32>} : memref<10240xf32, #tpu.memory_space<vmem>>, vector<16xf32>,
        %get3A_204 = vector.shape_cast %get3A_203 : vector<16xf32> to vector<16xf32>
        %max3A_205 = arith.constant 1.000000e-03 : f32
        %max3A_206 = vector.broadcast %max3A_205 : f32 to vector<16xf32>
        %max3A_207 = arith.maximumf %get3A_204, %max3A_206 : vector<16xf32>
        %get3A_208 = arith.index_cast %add3A_201 : i32 to index
        %get3A_209 = tpu.vector_load %arg8[%get3A_208] {strides = array<i32>} : memref<10240xf32, #tpu.memory_space<vmem>>, vector<16xf32>,
        %get3A_210 = vector.shape_cast %get3A_209 : vector<16xf32> to vector<16xf32>
        %rem3A_211 = arith.remf %get3A_210, %max3A_207 : vector<16xf32>
        %swap3A_212 = arith.index_cast %add3A_201 : i32 to index
        %swap3A_213 = tpu.vector_load %arg10[%swap3A_212] {strides = array<i32>} : memref<10240xf32, #tpu.memory_space<vmem>>, vector<16xf32>,
        %swap3A_214 = vector.shape_cast %swap3A_213 : vector<16xf32> to vector<16xf32>
        %swap3A_215 = vector.shape_cast %rem3A_211 : vector<16xf32> to vector<16xf32>
        tpu.vector_store %arg10[%swap3A_212], %swap3A_215 {strides = array<i32>} : memref<10240xf32, #tpu.memory_space<vmem>>, vector<16xf32>,
        %add3A_216 = arith.constant 112 : i32
        %add3A_217 = arith.addi %add3A_107, %add3A_216 : i32
        %get3A_218 = arith.index_cast %add3A_217 : i32 to index
        %get3A_219 = tpu.vector_load %arg10[%get3A_218] {strides = array<i32>} : memref<10240xf32, #tpu.memory_space<vmem>>, vector<16xf32>,
        %get3A_220 = vector.shape_cast %get3A_219 : vector<16xf32> to vector<16xf32>
        %max3A_221 = arith.constant 1.000000e-03 : f32
        %max3A_222 = vector.broadcast %max3A_221 : f32 to vector<16xf32>
        %max3A_223 = arith.maximumf %get3A_220, %max3A_222 : vector<16xf32>
        %get3A_224 = arith.index_cast %add3A_217 : i32 to index
        %get3A_225 = tpu.vector_load %arg8[%get3A_224] {strides = array<i32>} : memref<10240xf32, #tpu.memory_space<vmem>>, vector<16xf32>,
        %get3A_226 = vector.shape_cast %get3A_225 : vector<16xf32> to vector<16xf32>
        %rem3A_227 = arith.remf %get3A_226, %max3A_223 : vector<16xf32>
        %swap3A_228 = arith.index_cast %add3A_217 : i32 to index
        %swap3A_229 = tpu.vector_load %arg10[%swap3A_228] {strides = array<i32>} : memref<10240xf32, #tpu.memory_space<vmem>>, vector<16xf32>,
        %swap3A_230 = vector.shape_cast %swap3A_229 : vector<16xf32> to vector<16xf32>
        %swap3A_231 = vector.shape_cast %rem3A_227 : vector<16xf32> to vector<16xf32>
        tpu.vector_store %arg10[%swap3A_228], %swap3A_231 {strides = array<i32>} : memref<10240xf32, #tpu.memory_space<vmem>>, vector<16xf32>,
      }
      %scan3A_63 = arith.constant 80 : i32
      %mul3A_64 = arith.constant 10240 : i32
      %mul3A_65 = arith.muli %mul3A_41, %mul3A_64 : i32
      %add3A_66 = arith.addi %mul3A_2, %mul3A_65 : i32
      %dma_start3A_67 = tpu.memref_slice %arg5[%add3A_66] : memref<3276800xf32, #tpu.memory_space<hbm>> -> memref<10240xf32, #tpu.memory_space<hbm>>
      %dma_start3A_68 = tpu.memref_slice %arg5[%add3A_66] : memref<3276800xf32, #tpu.memory_space<hbm>> -> memref<10240xf32, #tpu.memory_space<hbm>>
      tpu.enqueue_dma source(%arg10 : memref<10240xf32, #tpu.memory_space<vmem>>) target(%dma_start3A_68 : memref<10240xf32, #tpu.memory_space<hbm>>) target_semaphore(%arg19 : memref<!tpu.dma_semaphore, #tpu.memory_space<semaphore_mem>>)
      %add3A_69 = arith.constant 2 : i32
      %add3A_70 = arith.addi %mul3A_41, %add3A_69 : i32
      %lt3A = arith.constant 10 : i32
      %lt3A_71 = arith.cmpi slt, %add3A_70, %lt3A : i32
      %convert_element_type3A_72 = arith.extui %lt3A_71 : i1 to i32
      %cond3A_73 = arith.constant 0 : i32
      %cond3A_74 = arith.cmpi ne, %convert_element_type3A_72, %cond3A_73 : i32
      scf.if %cond3A_74 {
        %add3A_103 = arith.constant 2 : i32
        %add3A_104 = arith.addi %mul3A_41, %add3A_103 : i32
        %mul3A_105 = arith.constant 10240 : i32
        %mul3A_106 = arith.muli %add3A_104, %mul3A_105 : i32
        %add3A_107 = arith.addi %mul3A_2, %mul3A_106 : i32
        %dma_start3A_108 = tpu.memref_slice %arg3[%add3A_107] : memref<3276800xi32, #tpu.memory_space<hbm>> -> memref<10240xi32, #tpu.memory_space<hbm>>
        %dma_start3A_109 = tpu.memref_slice %arg3[%add3A_107] : memref<3276800xi32, #tpu.memory_space<hbm>> -> memref<10240xi32, #tpu.memory_space<hbm>>
        tpu.enqueue_dma source(%dma_start3A_109 : memref<10240xi32, #tpu.memory_space<hbm>>) target(%arg6 : memref<10240xi32, #tpu.memory_space<vmem>>) target_semaphore(%arg13 : memref<!tpu.dma_semaphore, #tpu.memory_space<semaphore_mem>>)
        %dma_start3A_110 = tpu.memref_slice %arg2[%add3A_107] : memref<3276800xf32, #tpu.memory_space<hbm>> -> memref<10240xf32, #tpu.memory_space<hbm>>
        %dma_start3A_111 = tpu.memref_slice %arg2[%add3A_107] : memref<3276800xf32, #tpu.memory_space<hbm>> -> memref<10240xf32, #tpu.memory_space<hbm>>
        tpu.enqueue_dma source(%dma_start3A_111 : memref<10240xf32, #tpu.memory_space<hbm>>) target(%arg8 : memref<10240xf32, #tpu.memory_space<vmem>>) target_semaphore(%arg15 : memref<!tpu.dma_semaphore, #tpu.memory_space<semaphore_mem>>)
      } else {
      }
      %dma_wait3A_75 = arith.constant 0 : i32
      %dma_wait3A_76 = tpu.memref_slice %arg12[%dma_wait3A_75] : memref<1000000xf32, #tpu.memory_space<vmem_shared>> -> memref<1000000xf32, #tpu.memory_space<vmem_shared>>
      tpu.wait_indirect_dma semaphore(%arg18 : memref<!tpu.dma_semaphore, #tpu.memory_space<semaphore_mem>>) src(%dma_wait3A_76 : memref<1000000xf32, #tpu.memory_space<vmem_shared>>) dst(%arg11 : memref<10240xf32, #tpu.memory_space<vmem>>)
      %add3A_77 = arith.constant 2 : i32
      %add3A_78 = arith.addi %mul3A_41, %add3A_77 : i32
      %lt3A_79 = arith.constant 10 : i32
      %lt3A_80 = arith.cmpi slt, %add3A_78, %lt3A_79 : i32
      %convert_element_type3A_81 = arith.extui %lt3A_80 : i1 to i32
      %cond3A_82 = arith.constant 0 : i32
      %cond3A_83 = arith.cmpi ne, %convert_element_type3A_81, %cond3A_82 : i32
      scf.if %cond3A_83 {
        %add3A_103 = arith.constant 2 : i32
        %add3A_104 = arith.addi %mul3A_41, %add3A_103 : i32
        %mul3A_105 = arith.constant 10240 : i32
        %mul3A_106 = arith.muli %add3A_104, %mul3A_105 : i32
        %add3A_107 = arith.addi %mul3A_2, %mul3A_106 : i32
        %dma_wait3A_108 = tpu.memref_slice %arg3[%add3A_107] : memref<3276800xi32, #tpu.memory_space<hbm>> -> memref<10240xi32, #tpu.memory_space<hbm>>
        %dma_wait3A_109 = tpu.memref_slice %arg3[%add3A_107] : memref<3276800xi32, #tpu.memory_space<hbm>> -> memref<10240xi32, #tpu.memory_space<hbm>>
        tpu.wait_dma2 semaphore(%arg13 : memref<!tpu.dma_semaphore, #tpu.memory_space<semaphore_mem>>) src(%dma_wait3A_109 : memref<10240xi32, #tpu.memory_space<hbm>>) dst(%arg6 : memref<10240xi32, #tpu.memory_space<vmem>>)
        %dma_wait3A_110 = tpu.memref_slice %arg2[%add3A_107] : memref<3276800xf32, #tpu.memory_space<hbm>> -> memref<10240xf32, #tpu.memory_space<hbm>>
        %dma_wait3A_111 = tpu.memref_slice %arg2[%add3A_107] : memref<3276800xf32, #tpu.memory_space<hbm>> -> memref<10240xf32, #tpu.memory_space<hbm>>
        tpu.wait_dma2 semaphore(%arg15 : memref<!tpu.dma_semaphore, #tpu.memory_space<semaphore_mem>>) src(%dma_wait3A_111 : memref<10240xf32, #tpu.memory_space<hbm>>) dst(%arg8 : memref<10240xf32, #tpu.memory_space<vmem>>)
        %mul3A_112 = arith.constant 10240 : i32
        %mul3A_113 = arith.muli %mul3A_41, %mul3A_112 : i32
        %add3A_114 = arith.addi %mul3A_2, %mul3A_113 : i32
        %dma_wait3A_115 = tpu.memref_slice %arg5[%add3A_114] : memref<3276800xf32, #tpu.memory_space<hbm>> -> memref<10240xf32, #tpu.memory_space<hbm>>
        %dma_wait3A_116 = tpu.memref_slice %arg5[%add3A_114] : memref<3276800xf32, #tpu.memory_space<hbm>> -> memref<10240xf32, #tpu.memory_space<hbm>>
        tpu.wait_dma2 semaphore(%arg19 : memref<!tpu.dma_semaphore, #tpu.memory_space<semaphore_mem>>) src(%arg10 : memref<10240xf32, #tpu.memory_space<vmem>>) dst(%dma_wait3A_116 : memref<10240xf32, #tpu.memory_space<hbm>>)
        %dma_start3A_117 = arith.constant 0 : i32
        %dma_start3A_118 = tpu.memref_slice %arg12[%dma_start3A_117] : memref<1000000xf32, #tpu.memory_space<vmem_shared>> -> memref<1000000xf32, #tpu.memory_space<vmem_shared>>
        tpu.enqueue_indirect_dma source(%dma_start3A_118 : memref<1000000xf32, #tpu.memory_space<vmem_shared>>) target(%arg10 : memref<10240xf32, #tpu.memory_space<vmem>>) offsets(%arg6 : memref<10240xi32, #tpu.memory_space<vmem>>) semaphore(%arg17 : memref<!tpu.dma_semaphore, #tpu.memory_space<semaphore_mem>>)
      } else {
      }
      %scan3A_84 = arith.constant 0 : i32
      %scan3A_85 = arith.constant 80 : i32
      %scan3A_86 = arith.addi %scan3A_84, %scan3A_85 : i32
      %scan3A_87 = arith.constant 1 : i32
      scf.for %scan3A_103 = %scan3A_84 to %scan3A_86 step %scan3A_87  : i32 {
        %mul3A_104 = arith.constant 128 : i32
        %mul3A_105 = arith.muli %scan3A_103, %mul3A_104 : i32
        %add3A_106 = arith.constant 0 : i32
        %add3A_107 = arith.addi %add3A_106, %mul3A_105 : i32
        %add3A_108 = arith.constant 0 : i32
        %add3A_109 = arith.addi %add3A_107, %add3A_108 : i32
        %get3A = arith.index_cast %add3A_109 : i32 to index
        %get3A_110 = tpu.vector_load %arg11[%get3A] {strides = array<i32>} : memref<10240xf32, #tpu.memory_space<vmem>>, vector<16xf32>,
        %get3A_111 = vector.shape_cast %get3A_110 : vector<16xf32> to vector<16xf32>
        %max3A = arith.constant 1.000000e-03 : f32
        %max3A_112 = vector.broadcast %max3A : f32 to vector<16xf32>
        %max3A_113 = arith.maximumf %get3A_111, %max3A_112 : vector<16xf32>
        %get3A_114 = arith.index_cast %add3A_109 : i32 to index
        %get3A_115 = tpu.vector_load %arg9[%get3A_114] {strides = array<i32>} : memref<10240xf32, #tpu.memory_space<vmem>>, vector<16xf32>,
        %get3A_116 = vector.shape_cast %get3A_115 : vector<16xf32> to vector<16xf32>
        %rem3A = arith.remf %get3A_116, %max3A_113 : vector<16xf32>
        %swap3A = arith.index_cast %add3A_109 : i32 to index
        %swap3A_117 = tpu.vector_load %arg11[%swap3A] {strides = array<i32>} : memref<10240xf32, #tpu.memory_space<vmem>>, vector<16xf32>,
        %swap3A_118 = vector.shape_cast %swap3A_117 : vector<16xf32> to vector<16xf32>
        %swap3A_119 = vector.shape_cast %rem3A : vector<16xf32> to vector<16xf32>
        tpu.vector_store %arg11[%swap3A], %swap3A_119 {strides = array<i32>} : memref<10240xf32, #tpu.memory_space<vmem>>, vector<16xf32>,
        %add3A_120 = arith.constant 16 : i32
        %add3A_121 = arith.addi %add3A_107, %add3A_120 : i32
        %get3A_122 = arith.index_cast %add3A_121 : i32 to index
        %get3A_123 = tpu.vector_load %arg11[%get3A_122] {strides = array<i32>} : memref<10240xf32, #tpu.memory_space<vmem>>, vector<16xf32>,
        %get3A_124 = vector.shape_cast %get3A_123 : vector<16xf32> to vector<16xf32>
        %max3A_125 = arith.constant 1.000000e-03 : f32
        %max3A_126 = vector.broadcast %max3A_125 : f32 to vector<16xf32>
        %max3A_127 = arith.maximumf %get3A_124, %max3A_126 : vector<16xf32>
        %get3A_128 = arith.index_cast %add3A_121 : i32 to index
        %get3A_129 = tpu.vector_load %arg9[%get3A_128] {strides = array<i32>} : memref<10240xf32, #tpu.memory_space<vmem>>, vector<16xf32>,
        %get3A_130 = vector.shape_cast %get3A_129 : vector<16xf32> to vector<16xf32>
        %rem3A_131 = arith.remf %get3A_130, %max3A_127 : vector<16xf32>
        %swap3A_132 = arith.index_cast %add3A_121 : i32 to index
        %swap3A_133 = tpu.vector_load %arg11[%swap3A_132] {strides = array<i32>} : memref<10240xf32, #tpu.memory_space<vmem>>, vector<16xf32>,
        %swap3A_134 = vector.shape_cast %swap3A_133 : vector<16xf32> to vector<16xf32>
        %swap3A_135 = vector.shape_cast %rem3A_131 : vector<16xf32> to vector<16xf32>
        tpu.vector_store %arg11[%swap3A_132], %swap3A_135 {strides = array<i32>} : memref<10240xf32, #tpu.memory_space<vmem>>, vector<16xf32>,
        %add3A_136 = arith.constant 32 : i32
        %add3A_137 = arith.addi %add3A_107, %add3A_136 : i32
        %get3A_138 = arith.index_cast %add3A_137 : i32 to index
        %get3A_139 = tpu.vector_load %arg11[%get3A_138] {strides = array<i32>} : memref<10240xf32, #tpu.memory_space<vmem>>, vector<16xf32>,
        %get3A_140 = vector.shape_cast %get3A_139 : vector<16xf32> to vector<16xf32>
        %max3A_141 = arith.constant 1.000000e-03 : f32
        %max3A_142 = vector.broadcast %max3A_141 : f32 to vector<16xf32>
        %max3A_143 = arith.maximumf %get3A_140, %max3A_142 : vector<16xf32>
        %get3A_144 = arith.index_cast %add3A_137 : i32 to index
        %get3A_145 = tpu.vector_load %arg9[%get3A_144] {strides = array<i32>} : memref<10240xf32, #tpu.memory_space<vmem>>, vector<16xf32>,
        %get3A_146 = vector.shape_cast %get3A_145 : vector<16xf32> to vector<16xf32>
        %rem3A_147 = arith.remf %get3A_146, %max3A_143 : vector<16xf32>
        %swap3A_148 = arith.index_cast %add3A_137 : i32 to index
        %swap3A_149 = tpu.vector_load %arg11[%swap3A_148] {strides = array<i32>} : memref<10240xf32, #tpu.memory_space<vmem>>, vector<16xf32>,
        %swap3A_150 = vector.shape_cast %swap3A_149 : vector<16xf32> to vector<16xf32>
        %swap3A_151 = vector.shape_cast %rem3A_147 : vector<16xf32> to vector<16xf32>
        tpu.vector_store %arg11[%swap3A_148], %swap3A_151 {strides = array<i32>} : memref<10240xf32, #tpu.memory_space<vmem>>, vector<16xf32>,
        %add3A_152 = arith.constant 48 : i32
        %add3A_153 = arith.addi %add3A_107, %add3A_152 : i32
        %get3A_154 = arith.index_cast %add3A_153 : i32 to index
        %get3A_155 = tpu.vector_load %arg11[%get3A_154] {strides = array<i32>} : memref<10240xf32, #tpu.memory_space<vmem>>, vector<16xf32>,
        %get3A_156 = vector.shape_cast %get3A_155 : vector<16xf32> to vector<16xf32>
        %max3A_157 = arith.constant 1.000000e-03 : f32
        %max3A_158 = vector.broadcast %max3A_157 : f32 to vector<16xf32>
        %max3A_159 = arith.maximumf %get3A_156, %max3A_158 : vector<16xf32>
        %get3A_160 = arith.index_cast %add3A_153 : i32 to index
        %get3A_161 = tpu.vector_load %arg9[%get3A_160] {strides = array<i32>} : memref<10240xf32, #tpu.memory_space<vmem>>, vector<16xf32>,
        %get3A_162 = vector.shape_cast %get3A_161 : vector<16xf32> to vector<16xf32>
        %rem3A_163 = arith.remf %get3A_162, %max3A_159 : vector<16xf32>
        %swap3A_164 = arith.index_cast %add3A_153 : i32 to index
        %swap3A_165 = tpu.vector_load %arg11[%swap3A_164] {strides = array<i32>} : memref<10240xf32, #tpu.memory_space<vmem>>, vector<16xf32>,
        %swap3A_166 = vector.shape_cast %swap3A_165 : vector<16xf32> to vector<16xf32>
        %swap3A_167 = vector.shape_cast %rem3A_163 : vector<16xf32> to vector<16xf32>
        tpu.vector_store %arg11[%swap3A_164], %swap3A_167 {strides = array<i32>} : memref<10240xf32, #tpu.memory_space<vmem>>, vector<16xf32>,
        %add3A_168 = arith.constant 64 : i32
        %add3A_169 = arith.addi %add3A_107, %add3A_168 : i32
        %get3A_170 = arith.index_cast %add3A_169 : i32 to index
        %get3A_171 = tpu.vector_load %arg11[%get3A_170] {strides = array<i32>} : memref<10240xf32, #tpu.memory_space<vmem>>, vector<16xf32>,
        %get3A_172 = vector.shape_cast %get3A_171 : vector<16xf32> to vector<16xf32>
        %max3A_173 = arith.constant 1.000000e-03 : f32
        %max3A_174 = vector.broadcast %max3A_173 : f32 to vector<16xf32>
        %max3A_175 = arith.maximumf %get3A_172, %max3A_174 : vector<16xf32>
        %get3A_176 = arith.index_cast %add3A_169 : i32 to index
        %get3A_177 = tpu.vector_load %arg9[%get3A_176] {strides = array<i32>} : memref<10240xf32, #tpu.memory_space<vmem>>, vector<16xf32>,
        %get3A_178 = vector.shape_cast %get3A_177 : vector<16xf32> to vector<16xf32>
        %rem3A_179 = arith.remf %get3A_178, %max3A_175 : vector<16xf32>
        %swap3A_180 = arith.index_cast %add3A_169 : i32 to index
        %swap3A_181 = tpu.vector_load %arg11[%swap3A_180] {strides = array<i32>} : memref<10240xf32, #tpu.memory_space<vmem>>, vector<16xf32>,
        %swap3A_182 = vector.shape_cast %swap3A_181 : vector<16xf32> to vector<16xf32>
        %swap3A_183 = vector.shape_cast %rem3A_179 : vector<16xf32> to vector<16xf32>
        tpu.vector_store %arg11[%swap3A_180], %swap3A_183 {strides = array<i32>} : memref<10240xf32, #tpu.memory_space<vmem>>, vector<16xf32>,
        %add3A_184 = arith.constant 80 : i32
        %add3A_185 = arith.addi %add3A_107, %add3A_184 : i32
        %get3A_186 = arith.index_cast %add3A_185 : i32 to index
        %get3A_187 = tpu.vector_load %arg11[%get3A_186] {strides = array<i32>} : memref<10240xf32, #tpu.memory_space<vmem>>, vector<16xf32>,
        %get3A_188 = vector.shape_cast %get3A_187 : vector<16xf32> to vector<16xf32>
        %max3A_189 = arith.constant 1.000000e-03 : f32
        %max3A_190 = vector.broadcast %max3A_189 : f32 to vector<16xf32>
        %max3A_191 = arith.maximumf %get3A_188, %max3A_190 : vector<16xf32>
        %get3A_192 = arith.index_cast %add3A_185 : i32 to index
        %get3A_193 = tpu.vector_load %arg9[%get3A_192] {strides = array<i32>} : memref<10240xf32, #tpu.memory_space<vmem>>, vector<16xf32>,
        %get3A_194 = vector.shape_cast %get3A_193 : vector<16xf32> to vector<16xf32>
        %rem3A_195 = arith.remf %get3A_194, %max3A_191 : vector<16xf32>
        %swap3A_196 = arith.index_cast %add3A_185 : i32 to index
        %swap3A_197 = tpu.vector_load %arg11[%swap3A_196] {strides = array<i32>} : memref<10240xf32, #tpu.memory_space<vmem>>, vector<16xf32>,
        %swap3A_198 = vector.shape_cast %swap3A_197 : vector<16xf32> to vector<16xf32>
        %swap3A_199 = vector.shape_cast %rem3A_195 : vector<16xf32> to vector<16xf32>
        tpu.vector_store %arg11[%swap3A_196], %swap3A_199 {strides = array<i32>} : memref<10240xf32, #tpu.memory_space<vmem>>, vector<16xf32>,
        %add3A_200 = arith.constant 96 : i32
        %add3A_201 = arith.addi %add3A_107, %add3A_200 : i32
        %get3A_202 = arith.index_cast %add3A_201 : i32 to index
        %get3A_203 = tpu.vector_load %arg11[%get3A_202] {strides = array<i32>} : memref<10240xf32, #tpu.memory_space<vmem>>, vector<16xf32>,
        %get3A_204 = vector.shape_cast %get3A_203 : vector<16xf32> to vector<16xf32>
        %max3A_205 = arith.constant 1.000000e-03 : f32
        %max3A_206 = vector.broadcast %max3A_205 : f32 to vector<16xf32>
        %max3A_207 = arith.maximumf %get3A_204, %max3A_206 : vector<16xf32>
        %get3A_208 = arith.index_cast %add3A_201 : i32 to index
        %get3A_209 = tpu.vector_load %arg9[%get3A_208] {strides = array<i32>} : memref<10240xf32, #tpu.memory_space<vmem>>, vector<16xf32>,
        %get3A_210 = vector.shape_cast %get3A_209 : vector<16xf32> to vector<16xf32>
        %rem3A_211 = arith.remf %get3A_210, %max3A_207 : vector<16xf32>
        %swap3A_212 = arith.index_cast %add3A_201 : i32 to index
        %swap3A_213 = tpu.vector_load %arg11[%swap3A_212] {strides = array<i32>} : memref<10240xf32, #tpu.memory_space<vmem>>, vector<16xf32>,
        %swap3A_214 = vector.shape_cast %swap3A_213 : vector<16xf32> to vector<16xf32>
        %swap3A_215 = vector.shape_cast %rem3A_211 : vector<16xf32> to vector<16xf32>
        tpu.vector_store %arg11[%swap3A_212], %swap3A_215 {strides = array<i32>} : memref<10240xf32, #tpu.memory_space<vmem>>, vector<16xf32>,
        %add3A_216 = arith.constant 112 : i32
        %add3A_217 = arith.addi %add3A_107, %add3A_216 : i32
        %get3A_218 = arith.index_cast %add3A_217 : i32 to index
        %get3A_219 = tpu.vector_load %arg11[%get3A_218] {strides = array<i32>} : memref<10240xf32, #tpu.memory_space<vmem>>, vector<16xf32>,
        %get3A_220 = vector.shape_cast %get3A_219 : vector<16xf32> to vector<16xf32>
        %max3A_221 = arith.constant 1.000000e-03 : f32
        %max3A_222 = vector.broadcast %max3A_221 : f32 to vector<16xf32>
        %max3A_223 = arith.maximumf %get3A_220, %max3A_222 : vector<16xf32>
        %get3A_224 = arith.index_cast %add3A_217 : i32 to index
        %get3A_225 = tpu.vector_load %arg9[%get3A_224] {strides = array<i32>} : memref<10240xf32, #tpu.memory_space<vmem>>, vector<16xf32>,
        %get3A_226 = vector.shape_cast %get3A_225 : vector<16xf32> to vector<16xf32>
        %rem3A_227 = arith.remf %get3A_226, %max3A_223 : vector<16xf32>
        %swap3A_228 = arith.index_cast %add3A_217 : i32 to index
        %swap3A_229 = tpu.vector_load %arg11[%swap3A_228] {strides = array<i32>} : memref<10240xf32, #tpu.memory_space<vmem>>, vector<16xf32>,
        %swap3A_230 = vector.shape_cast %swap3A_229 : vector<16xf32> to vector<16xf32>
        %swap3A_231 = vector.shape_cast %rem3A_227 : vector<16xf32> to vector<16xf32>
        tpu.vector_store %arg11[%swap3A_228], %swap3A_231 {strides = array<i32>} : memref<10240xf32, #tpu.memory_space<vmem>>, vector<16xf32>,
      }
      %scan3A_88 = arith.constant 80 : i32
      %add3A_89 = arith.constant 1 : i32
      %add3A_90 = arith.addi %mul3A_41, %add3A_89 : i32
      %mul3A_91 = arith.constant 10240 : i32
      %mul3A_92 = arith.muli %add3A_90, %mul3A_91 : i32
      %add3A_93 = arith.addi %mul3A_2, %mul3A_92 : i32
      %dma_start3A_94 = tpu.memref_slice %arg5[%add3A_93] : memref<3276800xf32, #tpu.memory_space<hbm>> -> memref<10240xf32, #tpu.memory_space<hbm>>
      %dma_start3A_95 = tpu.memref_slice %arg5[%add3A_93] : memref<3276800xf32, #tpu.memory_space<hbm>> -> memref<10240xf32, #tpu.memory_space<hbm>>
      tpu.enqueue_dma source(%arg11 : memref<10240xf32, #tpu.memory_space<vmem>>) target(%dma_start3A_95 : memref<10240xf32, #tpu.memory_space<hbm>>) target_semaphore(%arg20 : memref<!tpu.dma_semaphore, #tpu.memory_space<semaphore_mem>>)
      %add3A_96 = arith.constant 2 : i32
      %add3A_97 = arith.addi %mul3A_41, %add3A_96 : i32
      %lt3A_98 = arith.constant 10 : i32
      %lt3A_99 = arith.cmpi slt, %add3A_97, %lt3A_98 : i32
      %convert_element_type3A_100 = arith.extui %lt3A_99 : i1 to i32
      %cond3A_101 = arith.constant 0 : i32
      %cond3A_102 = arith.cmpi ne, %convert_element_type3A_100, %cond3A_101 : i32
      scf.if %cond3A_102 {
        %add3A_103 = arith.constant 3 : i32
        %add3A_104 = arith.addi %mul3A_41, %add3A_103 : i32
        %mul3A_105 = arith.constant 10240 : i32
        %mul3A_106 = arith.muli %add3A_104, %mul3A_105 : i32
        %add3A_107 = arith.addi %mul3A_2, %mul3A_106 : i32
        %dma_start3A_108 = tpu.memref_slice %arg3[%add3A_107] : memref<3276800xi32, #tpu.memory_space<hbm>> -> memref<10240xi32, #tpu.memory_space<hbm>>
        %dma_start3A_109 = tpu.memref_slice %arg3[%add3A_107] : memref<3276800xi32, #tpu.memory_space<hbm>> -> memref<10240xi32, #tpu.memory_space<hbm>>
        tpu.enqueue_dma source(%dma_start3A_109 : memref<10240xi32, #tpu.memory_space<hbm>>) target(%arg7 : memref<10240xi32, #tpu.memory_space<vmem>>) target_semaphore(%arg14 : memref<!tpu.dma_semaphore, #tpu.memory_space<semaphore_mem>>)
        %dma_start3A_110 = tpu.memref_slice %arg2[%add3A_107] : memref<3276800xf32, #tpu.memory_space<hbm>> -> memref<10240xf32, #tpu.memory_space<hbm>>
        %dma_start3A_111 = tpu.memref_slice %arg2[%add3A_107] : memref<3276800xf32, #tpu.memory_space<hbm>> -> memref<10240xf32, #tpu.memory_space<hbm>>
        tpu.enqueue_dma source(%dma_start3A_111 : memref<10240xf32, #tpu.memory_space<hbm>>) target(%arg9 : memref<10240xf32, #tpu.memory_space<vmem>>) target_semaphore(%arg16 : memref<!tpu.dma_semaphore, #tpu.memory_space<semaphore_mem>>)
      } else {
      }
    }
    %scan3A_26 = arith.constant 5 : i32
    %add3A_27 = arith.constant 81920 : i32
    %add3A_28 = arith.addi %mul3A_2, %add3A_27 : i32
    %dma_wait3A_29 = tpu.memref_slice %arg5[%add3A_28] : memref<3276800xf32, #tpu.memory_space<hbm>> -> memref<10240xf32, #tpu.memory_space<hbm>>
    %dma_wait3A_30 = tpu.memref_slice %arg5[%add3A_28] : memref<3276800xf32, #tpu.memory_space<hbm>> -> memref<10240xf32, #tpu.memory_space<hbm>>
    tpu.wait_dma2 semaphore(%arg19 : memref<!tpu.dma_semaphore, #tpu.memory_space<semaphore_mem>>) src(%arg10 : memref<10240xf32, #tpu.memory_space<vmem>>) dst(%dma_wait3A_30 : memref<10240xf32, #tpu.memory_space<hbm>>)
    %add3A_31 = arith.constant 92160 : i32
    %add3A_32 = arith.addi %mul3A_2, %add3A_31 : i32
    %dma_wait3A_33 = tpu.memref_slice %arg5[%add3A_32] : memref<3276800xf32, #tpu.memory_space<hbm>> -> memref<10240xf32, #tpu.memory_space<hbm>>
    %dma_wait3A_34 = tpu.memref_slice %arg5[%add3A_32] : memref<3276800xf32, #tpu.memory_space<hbm>> -> memref<10240xf32, #tpu.memory_space<hbm>>
    tpu.wait_dma2 semaphore(%arg20 : memref<!tpu.dma_semaphore, #tpu.memory_space<semaphore_mem>>) src(%arg11 : memref<10240xf32, #tpu.memory_space<vmem>>) dst(%dma_wait3A_34 : memref<10240xf32, #tpu.memory_space<hbm>>)
    return
  }
}

module attributes {stable_mosaic.version = 14 : i64} {
  func.func @_combine_body(%arg0: memref<1000000xf32, #tpu.memory_space<vmem>>, %arg1: memref<1000000xf32, #tpu.memory_space<vmem>>, %arg2: memref<1000000xf32, #tpu.memory_space<vmem>>) attributes {dimension_semantics = [], scalar_prefetch = 0 : i64, scratch_operands = 0 : i64, tpu.core_type = #tpu.core_type<tc>} {
    %get3A = arith.constant 0 : index
    %get3A_0 = vector.load %arg0[%get3A] : memref<1000000xf32, #tpu.memory_space<vmem>>, vector<1000000xf32>
    %get3A_1 = arith.constant 0 : index
    %get3A_2 = vector.load %arg1[%get3A_1] : memref<1000000xf32, #tpu.memory_space<vmem>>, vector<1000000xf32>
    %add3A = arith.addf %get3A_0, %get3A_2 : vector<1000000xf32>
    %swap3A = arith.constant 0 : index
    %swap3A_3 = vector.load %arg2[%swap3A] : memref<1000000xf32, #tpu.memory_space<vmem>>, vector<1000000xf32>
    tpu.vector_store %arg2[%swap3A], %add3A {strides = array<i32>} : memref<1000000xf32, #tpu.memory_space<vmem>>, vector<1000000xf32>,
    return
  }
}

</mosaic_0001>

<sc_bundles>
// kernel: kernel.4.cloned.1.call-start
scs
__scs_entry_jumppad:
0x0: {  	(pc) =	sbr.rel $0x88, $3  }
0x1: {  	(tag) =	ssettag $0x0;
	lr =	simm.s32 $0x1  }
0x2: {  	[smem:$0x3F9D] =	sst lr;
	_ =	strace $0xD0000000  }
0x3: {  	_ = 	snop  }
0x4: {  	_ = 	snop  }
0x5: {  	_ = 	snop  }
0x6: {  	_ = 	snop  }
0x7: {  	_ = 	snop  }
__scs_overlays_trampoline_lowered:
0x8: {  	[smem:$0x3FAC] =	sst s0  }
0x9: {  	[smem:$0x3FAD] =	sst s1  }
0xa: {  	[smem:$0x3FAE] =	sst s2  }
0xb: {  	[smem:$0x3FAF] =	sst s3  }
0xc: {  	[smem:$0x3FB0] =	sst s4  }
0xd: {  	[smem:$0x3FB1] =	sst s5  }
0xe: {  	[smem:$0x3FB2] =	sst s6  }
0xf: {  	[smem:$0x3FB3] =	sst s7  }
0x10: {  	[smem:$0x3FB4] =	sst s8  }
0x11: {  	[smem:$0x3FB5] =	sst s9;
	s0 =	simm.s32 @!p0 $0x0  }
0x12: {  	s1 =	sld [smem:$0x3F9B];
	s0 =	simm.s32 @p0 $0x1  }
0x13: {  	[smem:$0x3FB6] =	sst s0;
	s0 =	simm.s32 @!p1 $0x0  }
0x14: {  	s2 =	sld [smem:$0x3F9A];
	s0 =	simm.s32 @p1 $0x1  }
0x15: {  	[smem:$0x3FB7] =	sst s0;
	s0 =	simm.s32 @!p2 $0x0  }
0x16: {  	s3 =	sld [smem:$0x3FDB];
	s0 =	simm.s32 @p2 $0x1  }
0x17: {  	s4 =	simm.s32 $0x1BF5;
	[smem:$0x3FB9] =	sst s0  }
0x18: {  	s0 =	sld [smem:$0x3F9C];
	_ =	swait.ge [sflag:s4], $0x0  }
0x19: {  	s7 =	sld [smem:$0x3F9D]  }
0x1a: {  	s8 =	sadd.s32 $0xFFFFE003, lr  }
0x1b: {  	s9 =	sadd.s32 $0xFFFFFEF7, lr;
	s5 =	simm.s32 $0xFFFFFFFF;
	p2 =	slt.u32 s8, $0xFFFFF086  }
0x1c: {  	p1 =	slt.u32 s9, $0xF7A;
	s5 =	simm.s32 @!p2 $0x0  }
0x1d: {  	s5 =	simm.s32 @p1 $0x1;
	p0 =	seq.s32 s7, s2  }
0x1e: {  	s7 =	smul.u32 @!p0 $0xF7A, s2;
	p2 =	seq.s32 @!p0 s5, $0x0  }
0x1f: {  	s9 =	smul.u32 $0xF7A, s1;
	s8 =	simm.s32 @!p0 $0x1BF5;
	p2 =	por !p2, p0  }
0x20: {  	[sflag:s8] =	ssyncset.s32 @!p0 $0xFFFFF086;
	s6 =	sadd.s32 @!p0 s3, s7;
	s7 =	simm.s32 @!p0 $0x108  }
0x21: {  	s3 =	sadd.s32 s3, s9;
	s6 =	sadd.s32 @!p0 $0x88, s6;
	s7 =	simm.s32 @p2 $0x1082  }
0x22: {  	[simem:s7], [sflag:s8] =	dma.local @!p0 [hbm:s6], $0xF7A  }
0x23: {  	s9 =	sor.u32 $0xD0000000, s2;
	s6 =	simm.s32 $0x108;
	_ =	swait.ge @!p0 [sflag:s8], $0x0  }
0x24: {  	s3 =	sadd.s32 $0x88, s3;
	s6 =	simm.s32 @!p1 $0x1082;
	[sflag:s4] =	ssyncset.s32 $0xFFFFF086  }
0x25: {  	[simem:s6], [sflag:s4] =	dma.local [hbm:s3], $0xF7A  }
0x26: {  	[smem:$0x3F9D] =	sst s1;
	(tag) =	ssettag s2;
	_ =	strace s9  }
0x27: {  	s1 =	sld [smem:$0x3FAD]  }
0x28: {  	s2 =	sld [smem:$0x3FAE]  }
0x29: {  	s4 =	sld [smem:$0x3FB0]  }
0x2a: {  	p0 =	seq.s32 s5, $0x0;
	s5 =	sld [smem:$0x3FB1]  }
0x2b: {  	s6 =	sld [smem:$0x3FB2]  }
0x2c: {  	s7 =	sld [smem:$0x3FB3]  }
0x2d: {  	s3 =	simm.s32 $0x108;
	s8 =	sld [smem:$0x3FB4]  }
0x2e: {  	s3 =	simm.s32 @!p0 $0x1082;
	s9 =	sld [smem:$0x3FB5]  }
0x2f: {  	lr =	sadd.s32 s0, s3;
	s0 =	sld [smem:$0x3FAC]  }
0x30: {  	s3 =	sld [smem:$0x3FAF]  }
0x31: {  	[smem:$0x3FB8] =	sst s10  }
0x32: {  	s10 =	sld [smem:$0x3FB6];
	_ =	sdelay $0x3  }
0x33: {  	p0 =	seq.s32 s10, $0x1;
	s10 =	sld [smem:$0x3FB8];
	_ =	sdelay $0x3  }
0x34: {  	[smem:$0x3FB8] =	sst s10  }
0x35: {  	s10 =	sld [smem:$0x3FB7];
	_ =	sdelay $0x3  }
0x36: {  	p1 =	seq.s32 s10, $0x1;
	s10 =	sld [smem:$0x3FB8];
	_ =	sdelay $0x3  }
0x37: {  	[smem:$0x3FB8] =	sst s10  }
0x38: {  	s10 =	sld [smem:$0x3FB9]  }
0x39: {  	_ = 	snop;
	(pc) =	sbr.ind lr, $3  }
0x3a: {  	_ = 	snop  }
0x3b: {  	_ = 	snop  }
0x3c: {  	p2 =	seq.s32 s10, $0x1;
	s10 =	sld [smem:$0x3FB8]  }
0x3d: {  	_ =	shalt  }
0x3e: {  	_ =	shalt  }
0x3f: {  	_ =	shalt  }
0x40: {  	_ =	shalt  }
0x41: {  	_ =	shalt  }
0x42: {  	_ =	shalt  }
0x43: {  	_ =	shalt  }
0x44: {  	_ =	shalt  }
0x45: {  	_ =	shalt  }
0x46: {  	_ =	shalt  }
0x47: {  	_ =	shalt  }
0x48: {  	_ =	shalt  }
0x49: {  	_ =	shalt  }
0x4a: {  	_ =	shalt  }
0x4b: {  	_ =	shalt  }
0x4c: {  	_ =	shalt  }
0x4d: {  	_ =	shalt  }
0x4e: {  	_ =	shalt  }
0x4f: {  	_ =	shalt  }
0x50: {  	_ =	shalt  }
0x51: {  	_ =	shalt  }
0x52: {  	_ =	shalt  }
0x53: {  	_ =	shalt  }
0x54: {  	_ =	shalt  }
0x55: {  	_ =	shalt  }
0x56: {  	_ =	shalt  }
0x57: {  	_ =	shalt  }
0x58: {  	_ =	shalt  }
0x59: {  	_ =	shalt  }
0x5a: {  	_ =	shalt  }
0x5b: {  	_ =	shalt  }
0x5c: {  	_ =	shalt  }
0x5d: {  	_ =	shalt  }
0x5e: {  	_ =	shalt  }
0x5f: {  	_ =	shalt  }
0x60: {  	_ =	shalt  }
0x61: {  	_ =	shalt  }
0x62: {  	_ =	shalt  }
0x63: {  	_ =	shalt  }
0x64: {  	_ =	shalt  }
0x65: {  	_ =	shalt  }
0x66: {  	_ =	shalt  }
0x67: {  	_ =	shalt  }
0x68: {  	_ =	shalt  }
0x69: {  	_ =	shalt  }
0x6a: {  	_ =	shalt  }
0x6b: {  	_ =	shalt  }
0x6c: {  	_ =	shalt  }
0x6d: {  	_ =	shalt  }
0x6e: {  	_ =	shalt  }
0x6f: {  	_ =	shalt  }
0x70: {  	_ =	shalt  }
0x71: {  	_ =	shalt  }
0x72: {  	_ =	shalt  }
0x73: {  	_ =	shalt  }
0x74: {  	_ =	shalt  }
0x75: {  	_ =	shalt  }
0x76: {  	_ =	shalt  }
0x77: {  	_ =	shalt  }
0x78: {  	_ =	shalt  }
0x79: {  	_ =	shalt  }
0x7a: {  	_ =	shalt  }
0x7b: {  	_ =	shalt  }
0x7c: {  	_ =	shalt  }
0x7d: {  	_ =	shalt  }
0x7e: {  	_ =	shalt  }
0x7f: {  	_ =	shalt  }
0x80: {  	_ =	shalt  }
0x81: {  	_ =	shalt  }
0x82: {  	_ =	shalt  }
0x83: {  	_ =	shalt  }
0x84: {  	_ =	shalt  }
0x85: {  	_ =	shalt  }
0x86: {  	_ =	shalt  }
0x87: {  	_ =	shalt  }
.Lfunc_end0:
.L_simem_size_0:
called_computation_lowered:
.L_overlay_start_0:
0x88: {  	s2 =	sld [smem:$0x3FD9]  }
0x89: {  	s3 =	sld [smem:$0x3FFE];
	_ =	sdelay $0x1  }
0x8a: {  	s1 =	srdreg.scid  }
0x8b: {  	s0 =	sand.u32 $0x1, s1  }
0x8c: {  	s17 =	sshll.u32 s0, $0xA;
	s2 =	sadd.s32 s3, s2  }
0x8d: {  	s2 =	sadd.s32 s2, s17  }
0x8e: {  	[smem:$0x3FC4] =	sst s2  }
0x8f: {  	_ = 	snop  }
0x90: {  	s2 =	sld [smem:$0x3FD0];
	(tm) =	ssettm $0x1  }
0x91: {  	s18 =	sld [smem:$0x3FFB];
	_ =	sdelay $0x3  }
0x92: {  	_ =	strace s18  }
0x93: {  	s3 =	sld [smem:$0x3FFC];
	_ =	sdelay $0x3  }
0x94: {  	_ =	strace s3  }
0x95: {  	s3 =	sld [smem:$0x3FFD];
	_ =	sdelay $0x3  }
0x96: {  	_ =	strace s3  }
0x97: {  	_ =	strace $0x8FFFFFFF  }
0x98: {  	s19 =	sld [smem:$0x3FDB];
	_ =	sdelay $0x1  }
0x99: {  	s4 =	simm.s32 $_scs_section_size  }
0x9a: {  	s5 =	simm.s32 $_size__tile_overlayer_lowered;
	s6 =	simm.s32 $_tile_overlayer_lowered  }
0x9b: {  	s22 =	simm.s32 $0x1BFF;
	s21 =	sshll.u32 s6, $0x1;
	s3 =	sadd.s32 s4, s19  }
0x9c: {  	s7 =	simm.s32 $0x0;
	s20 =	sshll.u32 s5, $0x1;
	s5 =	sadd.s32 s21, s3  }
0x9d: {  	[timem:s7], [sflag:s22] =	dma.local [hbm:s5], s20  }
0x9e: {  	_ =	swait.ge [sflag:s22], s20  }
0x9f: {  	s4 =	ssub.s32 $0x0, s20;
	[sflag:s22] =	ssyncset.done $0x0  }
0xa0: {  	[sflag:s22] =	ssyncadd.s32 s4;
	_ =	sdelay $0x1  }
0xa1: {  	s23 =	simm.s32 $0x1B8B  }
0xa2: {  	_ =	swait.ge [sflag:s23], $0x1  }
0xa3: {  	[sflag:s23] =	ssyncset.done $0x0  }
0xa4: {  	s25 =	simm.s32 $0x1B8E;
	s24 =	sld [smem:$0x3FFE];
	[sflag:s23] =	ssyncadd.s32 $0xFFFFFFFF  }
0xa5: {  	s26 =	simm.s32 $execute0_lowered;
	[smem:$0x3FD2] =	sst s25  }
0xa6: {  	s5 =	sshll.u32 s26, $0x1;
	_ =	strace $0x80000046;
	[dreg:$0x1] =	wrdreg $0xFFFFFFFF  }
0xa7: {  	s28 =	simm.s32 $_size_execute0_lowered;
	s3 =	sadd.s32 s3, s5;
	[dreg:$0x0] =	wrdreg $0x0  }
0xa8: {  	s5 =	sshll.u32 s28, $0x1;
	[dreg:$0x2] =	wrdreg s3  }
0xa9: {  	[dreg:$0x3] =	wrdreg s5  }
0xaa: {  	[dreg:$0x4] =	wrdreg $0xC0  }
0xab: {  	_ =	task [dreg:s7], $0x5FFFF  }
0xac: {  	[dreg:$0x1] =	wrdreg $0xFFFFFFFF  }
0xad: {  	[dreg:$0x0] =	wrdreg $0x60  }
0xae: {  	[dreg:$0x2] =	wrdreg s2  }
0xaf: {  	[dreg:$0x3] =	wrdreg s24  }
0xb0: {  	[dreg:$0x4] =	wrdreg $0xF0000  }
0xb1: {  	[dreg:$0x5] =	wrdreg $0x9  }
0xb2: {  	_ =	task.clear_ibuf [dreg:s7], $0x6FFFF;
	_ =	strace $0x90000046  }
0xb3: {  	s29 =	simm.s32 $0x9;
	_ =	strace $0x80000048  }
0xb4: {  	_ =	swait.ge [sflag:s29], $0x1  }
0xb5: {  	[sflag:s29] =	ssyncadd.s32 $0xFFFFFFFF  }
0xb6: {  	_ =	strace $0x90000048  }
0xb7: {  	_ =	sfence  }
0xb8: {  	s30 =	sld [smem:$0x0];
	_ =	sdelay $0x2  }
0xb9: {  	s31 =	sshll.u32 s1, $0xD;
	s1 =	sshrl.u32 s1, $0x2  }
0xba: {  	s3 =	sand.u32 $0x4000, s31;
	s1 =	sadd.s32 s1, s30  }
0xbb: {  	s0 =	sor.u32 s3, s0;
	s1 =	sshll.u32 s1, $0x11  }
0xbc: {  	s0 =	sor.u32 s1, s0  }
0xbd: {  	s0 =	sadd.s32 $0x8F2B, s0  }
0xbe: {  	[sflag:s0] =	ssyncadd.remote.s32 $0x1  }
0xbf: {  	_ =	sfence.sel $0xFFFF  }
0xc0: {  	[dreg:$0x0] =	wrdreg $0xFFFFFFFF;
	(pc) =	sbr.abs _section_cstart, $3  }
0xc1: {  	[dreg:$0x1] =	wrdreg $0xFFFFFFFF  }
0xc2: {  	_ =	task.clear_ibuf [dreg:s7], $0x2FFFF;
	_ =	strace $0x9FFFFFFF  }
0xc3: {  	(tm) =	ssettm $0x7FFFFFFF  }
tec
execute0_lowered:
.L_overlay_start_1:
0x0: {  	(tag) =	ssettag $0x1  }
0x1: {  	s1 =	rddreg [dreg:$0x0]  }
0x2: {  	s0 =	rddreg [dreg:$0x1]  }
0x3: {  	s2 =	rddreg [dreg:$0x2];
	s4 =	srdreg.scid  }
0x4: {  	s6 =	stileid.u32;
	s3 =	simm.s32 $0x0;
	s17 =	simm.s32 $0x2800  }
0x5: {  	s18 =	simm.s32 $0x7800;
	s20 =	simm.s32 $0x1;
	s21 =	simm.s32 $0x3  }
0x6: {  	s22 =	simm.s32 $0xA000;
	s23 =	simm.s32 $0x5;
	s28 =	simm.s32 $0x7  }
0x7: {  	s29 =	simm.s32 $0x8;
	s30 =	simm.s32 $0x0;
	s8 =	sand.u32 $0x1, s4  }
0x8: {  	s24 =	sshll.u32 s6, $0x1;
	[smem:$0x7FF] =	sst s3;
	s4 =	sadd.s32 $0x1A00, s0  }
0x9: {  	s7 =	sadd.s32 $0x65A00, s0;
	p0 =	sne.s32 s6, $0x0;
	s5 =	sor.u32 s8, s24  }
0xa: {  	_ =	strace $0x80000047;
	[dreg:$0x4] =	wrdreg s7;
	s25 =	ssub.s32 $0x2, s8  }
0xb: {  	s7 =	sadd.s32 $0x84400, s0;
	s5 =	smul.u32 $0x19000, s5;
	s9 =	sshrl.u32 s25, $0x1  }
0xc: {  	s19 =	sshrl.u32 @!p0 s2, $0x3;
	s24 =	simm.s32 $0x2;
	s0 =	ssub.s32 s25, s9  }
.Ltmp0:
0xd: {  	s25 =	simm.s32 $0x4;
	s10 =	sshrl.u32 s5, $0x3;
	(pc) =	sbr.rel .LBB2_1-.Ltmp0, $4  }
0xe: {  	s8 =	sadd.s32 $0x2800, s5;
	s13 =	sadd.s32 $0x5000, s5;
	s26 =	sadd.s32 s4, s10  }
0xf: {  	s14 =	sadd.s32 $0x7800, s5;
	s10 =	sadd.s32 s1, s10;
	[dreg:$0x5] =	wrdreg s26  }
0x10: {  	s15 =	smax.u32 s0, $0x1;
	s31 =	sshrl.u32 s8, $0x3;
	[dreg:$0x6] =	wrdreg s10  }
0x11: {  	s11 =	sadd.s32 s4, s31;
	s12 =	sadd.s32 s1, s31;
	s26 =	simm.s32 $0xC800  }
.LBB2_8:
0x12: {  	s30 =	sadd.s32 $0x1, s30  }
0x13: {  	_ =	swait.ge [sflag:s28], $0x2800;
	p1 =	sne.s32 s30, s15  }
.Ltmp1:
0x14: {  	[sflag:s28] =	ssyncset.done $0x0;
	(pc) =	sbr.rel @!p1 .LBB2_9-.Ltmp1, $4  }
0x15: {  	[sflag:s28] =	ssyncadd.s32 $0xFFFFD800  }
0x16: {  	_ =	swait.ge [sflag:s29], $0x2800  }
0x17: {  	[sflag:s29] =	ssyncset.done $0x0  }
0x18: {  	[sflag:s29] =	ssyncadd.s32 $0xFFFFD800  }
.LBB2_1:
0x19: {  	s0 =	rddreg [dreg:$0x5]  }
0x1a: {  	[tilespmem:s3], [sflag:$0x1] =	stream.linear.gather [hbm4b:s0+s3], $0x2800, $0x38;
	[tilespmem:$0x1E428] =	vst v63  }
0x1b: {  	s16 =	rddreg [dreg:$0x6];
	s6 =	simm.s32 $0x5000  }
0x1c: {  	[tilespmem:s6], [sflag:$0x3] =	stream.linear.gather [hbm4b:s16+s3], $0x2800, $0x38;
	[tilespmem:$0x1E428] =	vst v63  }
0x1d: {  	_ = 	snop  }
0x1e: {  	[tilespmem:s17], [sflag:$0x2] =	stream.linear.gather [hbm4b:s11+s3], $0x2800, $0x38;
	[tilespmem:$0x1E428] =	vst v63  }
0x1f: {  	s0 =	simm.s32 @!p0 $0x1C09;
	s6 =	rddreg [dreg:$0x4]  }
0x20: {  	[tilespmem:s18], [sflag:$0x4] =	stream.linear.gather [hbm4b:s12+s3], $0x2800, $0x38;
	[tilespmem:$0x1E428] =	vst v63  }
0x21: {  	[spmem:s19], [sflag:s0] =	dma.local @!p0 [hbm:s6], $0x1E850  }
0x22: {  	s0 =	simm.s32 @!p0 $0x9  }
0x23: {  	_ =	swait.ge @!p0 [sflag:s0], $0x1E850  }
0x24: {  	[sflag:s0] =	ssyncset.done @!p0 $0x0  }
0x25: {  	[sflag:s0] =	ssyncadd.s32 @!p0 $0xFFFE17B0  }
0x26: {  	[bflag:$0x0] =	sbarrier.arrive $0xFFFF  }
0x27: {  	_ =	swait.ge [sflag:s20], $0x2800  }
0x28: {  	[sflag:s20] =	ssyncset.done $0x0  }
0x29: {  	[sflag:s20] =	ssyncadd.s32 $0xFFFFD800  }
0x2a: {  	_ =	swait.ge [sflag:s21], $0x2800  }
0x2b: {  	[sflag:s21] =	ssyncset.done $0x0  }
0x2c: {  	s31 =	simm.s32 $0x0;
	[sflag:s21] =	ssyncadd.s32 $0xFFFFD800  }
0x2d: {  	[tilespmem:s22], [sflag:$0x5] =	stream.indirect.gather [spmem:s2], $0x1, s3, s17, $0xb8;
	[tilespmem:$0x1E428] =	vst v63  }
.LBB2_2:
0x2e: {  	_ =	swait.ge [sflag:s23], $0x2800  }
0x2f: {  	[sflag:s23] =	ssyncset.done $0x0  }
0x30: {  	[sflag:s23] =	ssyncadd.s32 $0xFFFFD800  }
0x31: {  	_ =	swait.ge [sflag:s24], $0x2800  }
0x32: {  	[sflag:s24] =	ssyncset.done $0x0  }
0x33: {  	[sflag:s24] =	ssyncadd.s32 $0xFFFFD800  }
0x34: {  	_ =	swait.ge [sflag:s25], $0x2800  }
0x35: {  	p1 =	seq.s32 s31, $0x0;
	[sflag:s25] =	ssyncset.done $0x0  }
0x36: {  	s0 =	simm.s32 @!p1 $0x8;
	[sflag:s25] =	ssyncadd.s32 $0xFFFFD800  }
0x37: {  	_ =	swait.ge @!p1 [sflag:s0], $0x2800  }
0x38: {  	[sflag:s0] =	ssyncset.done @!p1 $0x0  }
0x39: {  	s6 =	simm.s32 $0x0;
	[sflag:s0] =	ssyncadd.s32 @!p1 $0xFFFFD800  }
0x3a: {  	[tilespmem:s26], [sflag:$0x6] =	stream.indirect.gather [spmem:s2], $0x1, s17, s17, $0xb8;
	[tilespmem:$0x1E428] =	vst v63  }
0x3b: {  	v0 =	vld [tilespmem:s6+$0xA060];
	_ =	sdelay $0x2  }
0x3c: {  	v2 =	vld [tilespmem:s6+$0xA000];
	_ =	sdelay $0x1  }
0x3d: {  	v0 =	vmax.f32 v0, $1.000000050e-03  }
0x3e: {  	v1 =	vld [tilespmem:s6+$0xA070];
	v19 =	vand.u32 $0x7FFFFFFF, v0  }
0x3f: {  	v5 =	vld [tilespmem:s6+$0x5070];
	(erf) = vrcp.f32 v19  }
0x40: {  	v0 =	vmax.f32 v2, $1.000000050e-03;
	v2 =	vld [tilespmem:s6+$0xA020]  }
0x41: {  	v3 =	vld [tilespmem:s6+$0xA050]  }
0x42: {  	v18 =	vld [tilespmem:s6+$0x5050]  }
0x43: {  	v6 =	vld [tilespmem:s6+$0x5060];
	v4 =	vand.u32 $0x7FFFFFFF, v0;
	v0 =	vmax.f32 v1, $1.000000050e-03  }
0x44: {  	v8 =	vld [tilespmem:s6+$0xA030];
	(erf) = vrcp.f32 v4;
	v20 =	vand.u32 $0x7FFFFFFF, v0  }
0x45: {  	v14 =	vld [tilespmem:s6+$0x5000];
	(erf) = vrcp.f32 v20;
	v2 =	vmax.f32 v2, $1.000000050e-03  }
0x46: {  	v3 =	vmax.f32 v3, $1.000000050e-03;
	v1 =	vld [tilespmem:s6+$0xA010];
	v9 =	vand.u32 $0x7FFFFFFF, v2  }
0x47: {  	v7 =	vand.u32 $0x7FFFFFFF, v3;
	(erf) = vrcp.f32 v9  }
0x48: {  	v13 =	vand.u32 $0x80000000, v6;
	v21 =	vand.u32 $0x7FFFFFFF, v6;
	(erf) = vrcp.f32 v7;
	v6 =	vpop (erf)  }
0x49: {  	v22 =	vld [tilespmem:s6+$0xA040];
	v23 =	vmul.f32 v6, v21  }
0x4a: {  	v12 =	vand.u32 $0x80000000, v5;
	v8 =	vmax.f32 v8, $1.000000050e-03  }
0x4b: {  	v17 =	vld [tilespmem:s6+$0x5020];
	v11 =	vand.u32 $0x80000000, v18;
	v24 =	vand.u32 $0x7FFFFFFF, v14;
	v10 =	vmax.f32 v1, $1.000000050e-03  }
0x4c: {  	v6 =	vand.u32 $0x7FFFFFFF, v10;
	v10 =	vand.u32 $0x7FFFFFFF, v8;
	v8 =	vfloor.f32 v23  }
0x4d: {  	v16 =	vld [tilespmem:s6+$0x5030];
	v14 =	vand.u32 $0x80000000, v14;
	v27 =	vand.u32 $0x7FFFFFFF, v5;
	v26 =	vmul.f32 v8, v19;
	v23 =	vpop (erf)  }
0x4e: {  	v5 =	vmax.f32 v22, $1.000000050e-03;
	v18 =	vand.u32 $0x7FFFFFFF, v18;
	(erf) = vrcp.f32 v10;
	v25 =	vpop (erf)  }
0x4f: {  	v5 =	vand.u32 $0x7FFFFFFF, v5;
	(erf) = vrcp.f32 v6;
	v22 =	vmul.f32 v25, v27  }
0x50: {  	v15 =	vld [tilespmem:s6+$0x5010];
	v3 =	vand.u32 $0x80000000, v17;
	v17 =	vand.u32 $0x7FFFFFFF, v17;
	v25 =	vpop (erf);
	(erf) = vrcp.f32 v5  }
0x51: {  	v1 =	vld [tilespmem:s6+$0x5040];
	v21 =	vsub.f32 v21, v26;
	v25 =	vmul.f32 v25, v17;
	v26 =	vpop (erf);
	v22 =	vfloor.f32 v22  }
0x52: {  	v0 =	vand.u32 $0x80000000, v16;
	v26 =	vmul.f32 v26, v18;
	v22 =	vmul.f32 v22, v20  }
0x53: {  	v23 =	vmul.f32 v23, v24;
	vm0 =	veq.f32 v21, v19;
	v19 =	vfloor.f32 v25  }
0x54: {  	v25 =	vsub.f32 v27, v22;
	v22 =	vfloor.f32 v26;
	v26 =	vsel vm0, $0x0, v21  }
0x55: {  	v16 =	vand.u32 $0x7FFFFFFF, v16;
	v2 =	vand.u32 $0x80000000, v15;
	v23 =	vfloor.f32 v23  }
0x56: {  	s0 =	smul.u32 $0x5000, s31;
	v15 =	vand.u32 $0x7FFFFFFF, v15;
	v8 =	vand.u32 $0x7FFFFFFF, v1;
	v23 =	vmul.f32 v23, v4  }
0x57: {  	v21 =	vmul.f32 v19, v9;
	v19 =	vand.u32 $0x7FFFFFFF, v26;
	vm15 =	veq.f32 v25, v20;
	v26 =	vpop (erf)  }
0x58: {  	s9 =	simm.s32 $0x200;
	s16 =	sadd.s32 s0, s8;
	v20 =	vsub.f32 v24, v23;
	v24 =	vsel vm15, $0x0, v25;
	v23 =	vmul.f32 v26, v16;
	v25 =	vpop (erf)  }
.LBB2_3:
0x59: {  	s10 =	sshra.s32 s9, $0x2;
	p1 =	sne.s32 s9, $0x9E00;
	s9 =	sadd.s32 $0x200, s9;
	v25 =	vmul.f32 v25, v15;
	v22 =	vmul.f32 v22, v7;
	v24 =	vand.u32 $0x7FFFFFFF, v24  }
0x5a: {  	vm0 =	veq.f32 v20, v4;
	v4 =	vsub.f32 v17, v21;
	v21 =	vor.u32 v12, v24  }
0x5b: {  	v13 =	vor.u32 v13, v19;
	v17 =	vfloor.f32 v23;
	v18 =	vsub.f32 v18, v22;
	[tilespmem:s6+$0xA070] =	vst v21;
	v12 =	vpop (erf)  }
0x5c: {  	v20 =	vsel vm0, $0x0, v20;
	v21 =	vfloor.f32 v25;
	v19 =	vld [tilespmem:s10+$0xA070];
	v12 =	vmul.f32 v12, v8;
	[tilespmem:s6+$0xA060] =	vst v13  }
0x5d: {  	v20 =	vand.u32 $0x7FFFFFFF, v20;
	vm0 =	veq.f32 v4, v9;
	v9 =	vmul.f32 v17, v10;
	v13 =	vld [tilespmem:s10+$0xA060]  }
0x5e: {  	v17 =	vmul.f32 v21, v6;
	v14 =	vor.u32 v14, v20;
	vm1 =	veq.f32 v18, v7  }
0x5f: {  	v4 =	vsel vm0, $0x0, v4;
	v7 =	vfloor.f32 v12;
	v12 =	vsel vm1, $0x0, v18;
	[tilespmem:s6+$0xA000] =	vst v14  }
0x60: {  	v15 =	vsub.f32 v15, v17;
	v9 =	vsub.f32 v16, v9;
	v12 =	vand.u32 $0x7FFFFFFF, v12;
	v14 =	vld [tilespmem:s10+$0xA000]  }
0x61: {  	v4 =	vand.u32 $0x7FFFFFFF, v4;
	v11 =	vor.u32 v11, v12;
	v16 =	vld [tilespmem:s10+$0x5010];
	v17 =	vmax.f32 v19, $1.000000050e-03  }
0x62: {  	v7 =	vmul.f32 v7, v5;
	vm0 =	veq.f32 v9, v10;
	v19 =	vld [tilespmem:s10+$0x5030];
	v12 =	vmax.f32 v13, $1.000000050e-03;
	[tilespmem:s6+$0xA050] =	vst v11  }
0x63: {  	v3 =	vor.u32 v3, v4;
	vm1 =	veq.f32 v15, v6;
	v20 =	vand.u32 $0x7FFFFFFF, v12;
	v18 =	vld [tilespmem:s10+$0x5070]  }
0x64: {  	v4 =	vsel vm1, $0x0, v15;
	v6 =	vld [tilespmem:s10+$0xA050];
	(erf) = vrcp.f32 v20;
	[tilespmem:s6+$0xA020] =	vst v3;
	v3 =	vsel vm0, $0x0, v9  }
0x65: {  	v23 =	vand.u32 $0x7FFFFFFF, v17;
	v11 =	vand.u32 $0x7FFFFFFF, v4;
	v9 =	vmax.f32 v14, $1.000000050e-03;
	v10 =	vld [tilespmem:s10+$0xA020]  }
0x66: {  	v2 =	vor.u32 v2, v11;
	v3 =	vand.u32 $0x7FFFFFFF, v3;
	v4 =	vand.u32 $0x7FFFFFFF, v9;
	v15 =	vld [tilespmem:s10+$0x5050]  }
0x67: {  	v0 =	vor.u32 v0, v3;
	v11 =	vld [tilespmem:s10+$0x5060];
	(erf) = vrcp.f32 v4;
	[tilespmem:s6+$0xA010] =	vst v2;
	v2 =	vsub.f32 v8, v7  }
0x68: {  	v1 =	vand.u32 $0x80000000, v1;
	v3 =	vld [tilespmem:s10+$0xA010];
	v12 =	vand.u32 $0x80000000, v18;
	(erf) = vrcp.f32 v23;
	[tilespmem:s6+$0xA030] =	vst v0  }
0x69: {  	v0 =	vand.u32 $0x80000000, v19;
	v17 =	vld [tilespmem:s10+$0x5020];
	vm0 =	veq.f32 v2, v5  }
0x6a: {  	v6 =	vmax.f32 v6, $1.000000050e-03;
	v5 =	vmax.f32 v10, $1.000000050e-03;
	v8 =	vld [tilespmem:s10+$0xA030];
	v2 =	vsel vm0, $0x0, v2  }
0x6b: {  	v7 =	vand.u32 $0x7FFFFFFF, v6;
	v14 =	vld [tilespmem:s10+$0x5000];
	v9 =	vand.u32 $0x7FFFFFFF, v5;
	v2 =	vand.u32 $0x7FFFFFFF, v2  }
0x6c: {  	v13 =	vand.u32 $0x80000000, v11;
	(erf) = vrcp.f32 v9;
	v2 =	vor.u32 v1, v2  }
0x6d: {  	v21 =	vand.u32 $0x7FFFFFFF, v11;
	v5 =	vmax.f32 v3, $1.000000050e-03;
	v1 =	vld [tilespmem:s10+$0x5040];
	(erf) = vrcp.f32 v7;
	v6 =	vpop (erf);
	[tilespmem:s6+$0xA040] =	vst v2;
	s6 =	smov.u32 s10  }
0x6e: {  	v2 =	vand.u32 $0x80000000, v16;
	v3 =	vand.u32 $0x80000000, v17;
	v22 =	vld [tilespmem:s6+$0xA040];
	v24 =	vmul.f32 v6, v21  }
0x6f: {  	v11 =	vand.u32 $0x80000000, v15;
	v6 =	vand.u32 $0x7FFFFFFF, v5;
	v5 =	vmax.f32 v8, $1.000000050e-03  }
0x70: {  	v25 =	vand.u32 $0x7FFFFFFF, v14;
	v10 =	vand.u32 $0x7FFFFFFF, v5;
	v5 =	vfloor.f32 v24;
	v8 =	vpop (erf)  }
0x71: {  	v14 =	vand.u32 $0x80000000, v14;
	v24 =	vmul.f32 v8, v25;
	(erf) = vrcp.f32 v10;
	v26 =	vpop (erf)  }
0x72: {  	v28 =	vand.u32 $0x7FFFFFFF, v18;
	v27 =	vmul.f32 v5, v20;
	(erf) = vrcp.f32 v6  }
0x73: {  	v8 =	vand.u32 $0x7FFFFFFF, v1;
	v26 =	vmul.f32 v26, v28;
	v5 =	vmax.f32 v22, $1.000000050e-03  }
0x74: {  	v22 =	vfloor.f32 v24;
	v21 =	vsub.f32 v21, v27;
	v5 =	vand.u32 $0x7FFFFFFF, v5  }
0x75: {  	v17 =	vand.u32 $0x7FFFFFFF, v17;
	v24 =	vfloor.f32 v26;
	v18 =	vpop (erf);
	(erf) = vrcp.f32 v5  }
0x76: {  	v24 =	vmul.f32 v24, v23;
	v26 =	vmul.f32 v18, v17;
	v18 =	vand.u32 $0x7FFFFFFF, v15;
	v27 =	vpop (erf)  }
.Ltmp2:
0x77: {  	vm0 =	veq.f32 v21, v20;
	v15 =	vand.u32 $0x7FFFFFFF, v16;
	v27 =	vmul.f32 v27, v18;
	(pc) =	sbr.rel @p1 .LBB2_3-.Ltmp2, $4  }
0x78: {  	v20 =	vmul.f32 v22, v4;
	v24 =	vsub.f32 v28, v24;
	v26 =	vfloor.f32 v26  }
0x79: {  	v16 =	vand.u32 $0x7FFFFFFF, v19;
	v19 =	vsel vm0, $0x0, v21;
	v22 =	vfloor.f32 v27  }
0x7a: {  	v19 =	vand.u32 $0x7FFFFFFF, v19;
	v21 =	vmul.f32 v26, v9;
	vm0 =	veq.f32 v24, v23;
	v23 =	vpop (erf)  }
0x7b: {  	v20 =	vsub.f32 v25, v20;
	v24 =	vsel vm0, $0x0, v24;
	v23 =	vmul.f32 v23, v16;
	v25 =	vpop (erf)  }
0x7c: {  	v25 =	vmul.f32 v25, v15;
	v22 =	vmul.f32 v22, v7  }
0x7d: {  	v24 =	vand.u32 $0x7FFFFFFF, v24;
	v13 =	vor.u32 v13, v19;
	vm0 =	veq.f32 v20, v4  }
0x7e: {  	v4 =	vsub.f32 v17, v21;
	v12 =	vor.u32 v12, v24;
	v17 =	vfloor.f32 v23  }
0x7f: {  	v18 =	vsub.f32 v18, v22;
	v19 =	vpop (erf);
	v20 =	vsel vm0, $0x0, v20;
	v21 =	vfloor.f32 v25  }
0x80: {  	v19 =	vmul.f32 v19, v8;
	v20 =	vand.u32 $0x7FFFFFFF, v20;
	vm10 =	veq.f32 v4, v9  }
0x81: {  	v9 =	vmul.f32 v17, v10;
	v17 =	vmul.f32 v21, v6;
	v14 =	vor.u32 v14, v20  }
0x82: {  	vm1 =	veq.f32 v18, v7;
	v4 =	vsel vm10, $0x0, v4;
	v7 =	vfloor.f32 v19  }
0x83: {  	v18 =	vsel vm1, $0x0, v18;
	v15 =	vsub.f32 v15, v17;
	v7 =	vmul.f32 v7, v5  }
0x84: {  	[tilespmem:s6+$0xA070] =	vst v12;
	v9 =	vsub.f32 v16, v9;
	v4 =	vand.u32 $0x7FFFFFFF, v4;
	v12 =	vand.u32 $0x7FFFFFFF, v18  }
0x85: {  	[tilespmem:s6+$0xA060] =	vst v13;
	v3 =	vor.u32 v3, v4;
	vm11 =	veq.f32 v15, v6;
	v6 =	vsub.f32 v8, v7  }
0x86: {  	[tilespmem:s6+$0xA000] =	vst v14;
	v11 =	vor.u32 v11, v12;
	vm12 =	veq.f32 v9, v10;
	v4 =	vsel vm11, $0x0, v15  }
0x87: {  	[tilespmem:s6+$0xA020] =	vst v3;
	v7 =	vsel vm12, $0x0, v9;
	v4 =	vand.u32 $0x7FFFFFFF, v4;
	vm13 =	veq.f32 v6, v5  }
0x88: {  	[tilespmem:s6+$0xA050] =	vst v11;
	v3 =	vand.u32 $0x7FFFFFFF, v7;
	v2 =	vor.u32 v2, v4;
	v4 =	vsel vm13, $0x0, v6  }
0x89: {  	v1 =	vand.u32 $0x80000000, v1;
	s9 =	sadd.s32 s5, s0;
	v0 =	vor.u32 v0, v3;
	[tilespmem:s6+$0xA010] =	vst v2;
	v2 =	vand.u32 $0x7FFFFFFF, v4  }
0x8a: {  	p1 =	seq.s32 s31, $0x4;
	s9 =	sshrl.u32 s9, $0x3;
	[tilespmem:s6+$0xA030] =	vst v0;
	v0 =	vor.u32 v1, v2  }
0x8b: {  	s10 =	sadd.s32 s7, s9;
	[tilespmem:s6+$0xA040] =	vst v0;
	s6 =	simm.s32 @p1 $0x6  }
0x8c: {  	[hbm4b:s10+s3] =	stream.linear.scatter [tilespmem:s22], [sflag:$0x7], $0x2800, $0x38;
	[tilespmem:$0x1E428] =	vst v63  }
0x8d: {  	s9 =	sadd.s32 @!p1 s0, s13;
	_ =	swait.ge @p1 [sflag:s6], $0x2800  }
0x8e: {  	s9 =	sshrl.u32 @!p1 s9, $0x3;
	[sflag:s6] =	ssyncset.done @p1 $0x0  }
0x8f: {  	s10 =	simm.s32 @!p1 $0x0;
	[sflag:s6] =	ssyncadd.s32 @p1 $0xFFFFD800;
	s6 =	sadd.s32 @!p1 s4, s9  }
0x90: {  	[tilespmem:s10], [sflag:$0x1] =	stream.linear.gather @!p1 [hbm4b:s6+s10], $0x2800, $0x38;
	[tilespmem:$0x1E428] =	vst v63  }
0x91: {  	s6 =	sadd.s32 @!p1 s1, s9;
	s9 =	simm.s32 @!p1 $0x5000  }
0x92: {  	[tilespmem:s9], [sflag:$0x3] =	stream.linear.gather @!p1 [hbm4b:s6+s10], $0x2800, $0x38;
	[tilespmem:$0x1E428] =	vst v63  }
0x93: {  	s6 =	simm.s32 @!p1 $0x6  }
0x94: {  	_ =	swait.ge @!p1 [sflag:s6], $0x2800  }
0x95: {  	[sflag:s6] =	ssyncset.done @!p1 $0x0  }
0x96: {  	[sflag:s6] =	ssyncadd.s32 @!p1 $0xFFFFD800;
	s6 =	simm.s32 @!p1 $0x1  }
0x97: {  	_ =	swait.ge @!p1 [sflag:s6], $0x2800  }
0x98: {  	[sflag:s6] =	ssyncset.done @!p1 $0x0  }
0x99: {  	[sflag:s6] =	ssyncadd.s32 @!p1 $0xFFFFD800;
	s6 =	simm.s32 @!p1 $0x3  }
0x9a: {  	_ =	swait.ge @!p1 [sflag:s6], $0x2800  }
0x9b: {  	[sflag:s6] =	ssyncset.done @!p1 $0x0  }
0x9c: {  	[sflag:s6] =	ssyncadd.s32 @!p1 $0xFFFFD800;
	s6 =	simm.s32 @!p1 $0x7  }
0x9d: {  	_ =	swait.ge @!p1 [sflag:s6], $0x2800  }
0x9e: {  	[sflag:s6] =	ssyncset.done @!p1 $0x0  }
0x9f: {  	s9 =	simm.s32 @!p1 $0xA000;
	[sflag:s6] =	ssyncadd.s32 @!p1 $0xFFFFD800;
	s6 =	simm.s32 @!p1 $0x2800  }
0xa0: {  	[tilespmem:s9], [sflag:$0x5] =	stream.indirect.gather @!p1 [spmem:s2], $0x1, s10, s6, $0xb8;
	[tilespmem:$0x1E428] =	vst v63  }
0xa1: {  	s6 =	simm.s32 $0x0  }
0xa2: {  	v0 =	vld [tilespmem:s6+$0xC860];
	_ =	sdelay $0x2  }
0xa3: {  	v2 =	vld [tilespmem:s6+$0xC800];
	_ =	sdelay $0x1  }
0xa4: {  	v0 =	vmax.f32 v0, $1.000000050e-03  }
0xa5: {  	v1 =	vld [tilespmem:s6+$0xC870];
	v19 =	vand.u32 $0x7FFFFFFF, v0  }
0xa6: {  	v5 =	vld [tilespmem:s6+$0x7870];
	(erf) = vrcp.f32 v19  }
0xa7: {  	v0 =	vmax.f32 v2, $1.000000050e-03;
	v2 =	vld [tilespmem:s6+$0xC820]  }
0xa8: {  	v3 =	vld [tilespmem:s6+$0xC850]  }
0xa9: {  	v18 =	vld [tilespmem:s6+$0x7850]  }
0xaa: {  	v6 =	vld [tilespmem:s6+$0x7860];
	v4 =	vand.u32 $0x7FFFFFFF, v0;
	v0 =	vmax.f32 v1, $1.000000050e-03  }
0xab: {  	v8 =	vld [tilespmem:s6+$0xC830];
	(erf) = vrcp.f32 v4;
	v20 =	vand.u32 $0x7FFFFFFF, v0  }
0xac: {  	v14 =	vld [tilespmem:s6+$0x7800];
	(erf) = vrcp.f32 v20;
	v2 =	vmax.f32 v2, $1.000000050e-03  }
0xad: {  	v3 =	vmax.f32 v3, $1.000000050e-03;
	v1 =	vld [tilespmem:s6+$0xC810];
	v9 =	vand.u32 $0x7FFFFFFF, v2  }
0xae: {  	v7 =	vand.u32 $0x7FFFFFFF, v3;
	(erf) = vrcp.f32 v9  }
0xaf: {  	v13 =	vand.u32 $0x80000000, v6;
	v21 =	vand.u32 $0x7FFFFFFF, v6;
	(erf) = vrcp.f32 v7;
	v6 =	vpop (erf)  }
0xb0: {  	v22 =	vld [tilespmem:s6+$0xC840];
	v23 =	vmul.f32 v6, v21  }
0xb1: {  	v12 =	vand.u32 $0x80000000, v5;
	v8 =	vmax.f32 v8, $1.000000050e-03  }
0xb2: {  	v17 =	vld [tilespmem:s6+$0x7820];
	v11 =	vand.u32 $0x80000000, v18;
	v24 =	vand.u32 $0x7FFFFFFF, v14;
	v10 =	vmax.f32 v1, $1.000000050e-03  }
0xb3: {  	v6 =	vand.u32 $0x7FFFFFFF, v10;
	v10 =	vand.u32 $0x7FFFFFFF, v8;
	v8 =	vfloor.f32 v23  }
0xb4: {  	v16 =	vld [tilespmem:s6+$0x7830];
	v14 =	vand.u32 $0x80000000, v14;
	v27 =	vand.u32 $0x7FFFFFFF, v5;
	v26 =	vmul.f32 v8, v19;
	v23 =	vpop (erf)  }
0xb5: {  	v5 =	vmax.f32 v22, $1.000000050e-03;
	v18 =	vand.u32 $0x7FFFFFFF, v18;
	(erf) = vrcp.f32 v10;
	v25 =	vpop (erf)  }
0xb6: {  	v5 =	vand.u32 $0x7FFFFFFF, v5;
	(erf) = vrcp.f32 v6;
	v22 =	vmul.f32 v25, v27  }
0xb7: {  	v15 =	vld [tilespmem:s6+$0x7810];
	v3 =	vand.u32 $0x80000000, v17;
	v17 =	vand.u32 $0x7FFFFFFF, v17;
	v25 =	vpop (erf);
	(erf) = vrcp.f32 v5  }
0xb8: {  	v1 =	vld [tilespmem:s6+$0x7840];
	v21 =	vsub.f32 v21, v26;
	v25 =	vmul.f32 v25, v17;
	v26 =	vpop (erf);
	v22 =	vfloor.f32 v22  }
0xb9: {  	v0 =	vand.u32 $0x80000000, v16;
	v26 =	vmul.f32 v26, v18;
	v22 =	vmul.f32 v22, v20  }
0xba: {  	v23 =	vmul.f32 v23, v24;
	vm14 =	veq.f32 v21, v19;
	v19 =	vfloor.f32 v25  }
0xbb: {  	v25 =	vsub.f32 v27, v22;
	v22 =	vfloor.f32 v26;
	v26 =	vsel vm14, $0x0, v21  }
0xbc: {  	v16 =	vand.u32 $0x7FFFFFFF, v16;
	v2 =	vand.u32 $0x80000000, v15;
	v23 =	vfloor.f32 v23  }
0xbd: {  	v15 =	vand.u32 $0x7FFFFFFF, v15;
	v8 =	vand.u32 $0x7FFFFFFF, v1;
	v23 =	vmul.f32 v23, v4  }
0xbe: {  	v21 =	vmul.f32 v19, v9;
	v19 =	vand.u32 $0x7FFFFFFF, v26;
	vm15 =	veq.f32 v25, v20;
	v26 =	vpop (erf)  }
0xbf: {  	s9 =	simm.s32 $0x200;
	v20 =	vsub.f32 v24, v23;
	v24 =	vsel vm15, $0x0, v25;
	v23 =	vmul.f32 v26, v16;
	v25 =	vpop (erf)  }
.LBB2_5:
0xc0: {  	s10 =	sshra.s32 s9, $0x2;
	p2 =	sne.s32 s9, $0x9E00;
	s9 =	sadd.s32 $0x200, s9;
	v25 =	vmul.f32 v25, v15;
	v22 =	vmul.f32 v22, v7;
	v24 =	vand.u32 $0x7FFFFFFF, v24  }
0xc1: {  	vm0 =	veq.f32 v20, v4;
	v4 =	vsub.f32 v17, v21;
	v21 =	vor.u32 v12, v24  }
0xc2: {  	v13 =	vor.u32 v13, v19;
	v17 =	vfloor.f32 v23;
	v18 =	vsub.f32 v18, v22;
	[tilespmem:s6+$0xC870] =	vst v21;
	v12 =	vpop (erf)  }
0xc3: {  	v20 =	vsel vm0, $0x0, v20;
	v21 =	vfloor.f32 v25;
	v19 =	vld [tilespmem:s10+$0xC870];
	v12 =	vmul.f32 v12, v8;
	[tilespmem:s6+$0xC860] =	vst v13  }
0xc4: {  	v20 =	vand.u32 $0x7FFFFFFF, v20;
	vm0 =	veq.f32 v4, v9;
	v9 =	vmul.f32 v17, v10;
	v13 =	vld [tilespmem:s10+$0xC860]  }
0xc5: {  	v17 =	vmul.f32 v21, v6;
	v14 =	vor.u32 v14, v20;
	vm1 =	veq.f32 v18, v7  }
0xc6: {  	v4 =	vsel vm0, $0x0, v4;
	v7 =	vfloor.f32 v12;
	v12 =	vsel vm1, $0x0, v18;
	[tilespmem:s6+$0xC800] =	vst v14  }
0xc7: {  	v15 =	vsub.f32 v15, v17;
	v9 =	vsub.f32 v16, v9;
	v12 =	vand.u32 $0x7FFFFFFF, v12;
	v14 =	vld [tilespmem:s10+$0xC800]  }
0xc8: {  	v4 =	vand.u32 $0x7FFFFFFF, v4;
	v11 =	vor.u32 v11, v12;
	v16 =	vld [tilespmem:s10+$0x7810];
	v17 =	vmax.f32 v19, $1.000000050e-03  }
0xc9: {  	v7 =	vmul.f32 v7, v5;
	vm0 =	veq.f32 v9, v10;
	v19 =	vld [tilespmem:s10+$0x7830];
	v12 =	vmax.f32 v13, $1.000000050e-03;
	[tilespmem:s6+$0xC850] =	vst v11  }
0xca: {  	v3 =	vor.u32 v3, v4;
	vm1 =	veq.f32 v15, v6;
	v20 =	vand.u32 $0x7FFFFFFF, v12;
	v18 =	vld [tilespmem:s10+$0x7870]  }
0xcb: {  	v4 =	vsel vm1, $0x0, v15;
	v6 =	vld [tilespmem:s10+$0xC850];
	(erf) = vrcp.f32 v20;
	[tilespmem:s6+$0xC820] =	vst v3;
	v3 =	vsel vm0, $0x0, v9  }
0xcc: {  	v23 =	vand.u32 $0x7FFFFFFF, v17;
	v11 =	vand.u32 $0x7FFFFFFF, v4;
	v9 =	vmax.f32 v14, $1.000000050e-03;
	v10 =	vld [tilespmem:s10+$0xC820]  }
0xcd: {  	v2 =	vor.u32 v2, v11;
	v3 =	vand.u32 $0x7FFFFFFF, v3;
	v4 =	vand.u32 $0x7FFFFFFF, v9;
	v15 =	vld [tilespmem:s10+$0x7850]  }
0xce: {  	v0 =	vor.u32 v0, v3;
	v11 =	vld [tilespmem:s10+$0x7860];
	(erf) = vrcp.f32 v4;
	[tilespmem:s6+$0xC810] =	vst v2;
	v2 =	vsub.f32 v8, v7  }
0xcf: {  	v1 =	vand.u32 $0x80000000, v1;
	v3 =	vld [tilespmem:s10+$0xC810];
	v12 =	vand.u32 $0x80000000, v18;
	(erf) = vrcp.f32 v23;
	[tilespmem:s6+$0xC830] =	vst v0  }
0xd0: {  	v0 =	vand.u32 $0x80000000, v19;
	v17 =	vld [tilespmem:s10+$0x7820];
	vm0 =	veq.f32 v2, v5  }
0xd1: {  	v6 =	vmax.f32 v6, $1.000000050e-03;
	v5 =	vmax.f32 v10, $1.000000050e-03;
	v8 =	vld [tilespmem:s10+$0xC830];
	v2 =	vsel vm0, $0x0, v2  }
0xd2: {  	v7 =	vand.u32 $0x7FFFFFFF, v6;
	v14 =	vld [tilespmem:s10+$0x7800];
	v9 =	vand.u32 $0x7FFFFFFF, v5;
	v2 =	vand.u32 $0x7FFFFFFF, v2  }
0xd3: {  	v13 =	vand.u32 $0x80000000, v11;
	(erf) = vrcp.f32 v9;
	v2 =	vor.u32 v1, v2  }
0xd4: {  	v21 =	vand.u32 $0x7FFFFFFF, v11;
	v5 =	vmax.f32 v3, $1.000000050e-03;
	v1 =	vld [tilespmem:s10+$0x7840];
	(erf) = vrcp.f32 v7;
	v6 =	vpop (erf);
	[tilespmem:s6+$0xC840] =	vst v2;
	s6 =	smov.u32 s10  }
0xd5: {  	v2 =	vand.u32 $0x80000000, v16;
	v3 =	vand.u32 $0x80000000, v17;
	v22 =	vld [tilespmem:s6+$0xC840];
	v24 =	vmul.f32 v6, v21  }
0xd6: {  	v11 =	vand.u32 $0x80000000, v15;
	v6 =	vand.u32 $0x7FFFFFFF, v5;
	v5 =	vmax.f32 v8, $1.000000050e-03  }
0xd7: {  	v25 =	vand.u32 $0x7FFFFFFF, v14;
	v10 =	vand.u32 $0x7FFFFFFF, v5;
	v5 =	vfloor.f32 v24;
	v8 =	vpop (erf)  }
0xd8: {  	v14 =	vand.u32 $0x80000000, v14;
	v24 =	vmul.f32 v8, v25;
	(erf) = vrcp.f32 v10;
	v26 =	vpop (erf)  }
0xd9: {  	v28 =	vand.u32 $0x7FFFFFFF, v18;
	v27 =	vmul.f32 v5, v20;
	(erf) = vrcp.f32 v6  }
0xda: {  	v8 =	vand.u32 $0x7FFFFFFF, v1;
	v26 =	vmul.f32 v26, v28;
	v5 =	vmax.f32 v22, $1.000000050e-03  }
0xdb: {  	v22 =	vfloor.f32 v24;
	v21 =	vsub.f32 v21, v27;
	v5 =	vand.u32 $0x7FFFFFFF, v5  }
0xdc: {  	v17 =	vand.u32 $0x7FFFFFFF, v17;
	v24 =	vfloor.f32 v26;
	v18 =	vpop (erf);
	(erf) = vrcp.f32 v5  }
0xdd: {  	v24 =	vmul.f32 v24, v23;
	v26 =	vmul.f32 v18, v17;
	v18 =	vand.u32 $0x7FFFFFFF, v15;
	v27 =	vpop (erf)  }
.Ltmp3:
0xde: {  	vm0 =	veq.f32 v21, v20;
	v15 =	vand.u32 $0x7FFFFFFF, v16;
	v27 =	vmul.f32 v27, v18;
	(pc) =	sbr.rel @p2 .LBB2_5-.Ltmp3, $4  }
0xdf: {  	v20 =	vmul.f32 v22, v4;
	v24 =	vsub.f32 v28, v24;
	v26 =	vfloor.f32 v26  }
0xe0: {  	v16 =	vand.u32 $0x7FFFFFFF, v19;
	v19 =	vsel vm0, $0x0, v21;
	v22 =	vfloor.f32 v27  }
0xe1: {  	v19 =	vand.u32 $0x7FFFFFFF, v19;
	v21 =	vmul.f32 v26, v9;
	vm0 =	veq.f32 v24, v23;
	v23 =	vpop (erf)  }
0xe2: {  	v20 =	vsub.f32 v25, v20;
	v24 =	vsel vm0, $0x0, v24;
	v23 =	vmul.f32 v23, v16;
	v25 =	vpop (erf)  }
0xe3: {  	v25 =	vmul.f32 v25, v15;
	v22 =	vmul.f32 v22, v7  }
0xe4: {  	v24 =	vand.u32 $0x7FFFFFFF, v24;
	v48 =	vsub.f32 v17, v21;
	v13 =	vor.u32 v13, v19  }
0xe5: {  	vm0 =	veq.f32 v20, v4;
	v12 =	vor.u32 v12, v24;
	v49 =	vfloor.f32 v23  }
0xe6: {  	v18 =	vsub.f32 v18, v22;
	v50 =	vpop (erf);
	v20 =	vsel vm0, $0x0, v20;
	v51 =	vfloor.f32 v25  }
0xe7: {  	vm12 =	veq.f32 v48, v9;
	v52 =	vmul.f32 v49, v10;
	v19 =	vmul.f32 v50, v8  }
0xe8: {  	v20 =	vand.u32 $0x7FFFFFFF, v20;
	v53 =	vmul.f32 v51, v6;
	v4 =	vsel vm12, $0x0, v48  }
0xe9: {  	v14 =	vor.u32 v14, v20;
	vm1 =	veq.f32 v18, v7;
	v54 =	vfloor.f32 v19  }
0xea: {  	v9 =	vsub.f32 v16, v52;
	v4 =	vand.u32 $0x7FFFFFFF, v4;
	v7 =	vmul.f32 v54, v5  }
0xeb: {  	[tilespmem:s6+$0xC860] =	vst v13;
	v18 =	vsel vm1, $0x0, v18;
	v55 =	vsub.f32 v15, v53;
	v3 =	vor.u32 v3, v4  }
0xec: {  	[tilespmem:s6+$0xC870] =	vst v12;
	v56 =	vand.u32 $0x7FFFFFFF, v18;
	vm14 =	veq.f32 v9, v10;
	v57 =	vsub.f32 v8, v7  }
0xed: {  	[tilespmem:s6+$0xC800] =	vst v14;
	v11 =	vor.u32 v11, v56;
	vm13 =	veq.f32 v55, v6;
	v59 =	vsel vm14, $0x0, v9  }
0xee: {  	[tilespmem:s6+$0xC820] =	vst v3;
	v58 =	vsel vm13, $0x0, v55;
	v60 =	vand.u32 $0x7FFFFFFF, v59;
	vm15 =	veq.f32 v57, v5  }
.Ltmp4:
0xef: {  	[tilespmem:s6+$0xC850] =	vst v11;
	v4 =	vand.u32 $0x7FFFFFFF, v58;
	v0 =	vor.u32 v0, v60;
	v61 =	vsel vm15, $0x0, v57;
	(pc) =	sbr.rel @p1 .LBB2_8-.Ltmp4, $4  }
0xf0: {  	v1 =	vand.u32 $0x80000000, v1;
	v2 =	vor.u32 v2, v4;
	[tilespmem:s6+$0xC830] =	vst v0;
	v62 =	vand.u32 $0x7FFFFFFF, v61  }
0xf1: {  	s9 =	sshrl.u32 s16, $0x3;
	[tilespmem:s6+$0xC810] =	vst v2;
	v63 =	vor.u32 v1, v62  }
0xf2: {  	s16 =	sadd.s32 s7, s9;
	[tilespmem:s6+$0xC840] =	vst v63  }
0xf3: {  	[hbm4b:s16+s3] =	stream.linear.scatter [tilespmem:s26], [sflag:$0x8], $0x2800, $0x38;
	[tilespmem:$0x1E428] =	vst v63  }
0xf4: {  	s0 =	sadd.s32 s0, s14  }
.Ltmp5:
0xf5: {  	s0 =	sshrl.u32 s0, $0x3;
	(pc) =	sbr.rel .LBB2_2-.Ltmp5, $4  }
0xf6: {  	s6 =	sadd.s32 s4, s0  }
0xf7: {  	[tilespmem:s17], [sflag:$0x2] =	stream.linear.gather [hbm4b:s6+s3], $0x2800, $0x38;
	[tilespmem:$0x1E428] =	vst v63  }
0xf8: {  	s31 =	sadd.s32 $0x1, s31;
	s0 =	sadd.s32 s1, s0  }
0xf9: {  	[tilespmem:s18], [sflag:$0x4] =	stream.linear.gather [hbm4b:s0+s3], $0x2800, $0x38;
	[tilespmem:$0x1E428] =	vst v63  }
.LBB2_9:
0xfa: {  	_ =	sfence.sel $0x180000  }
0xfb: {  	[bflag:$0x0] =	sbarrier.arrive $0xFFFF  }
0xfc: {  	_ =	strace $0x90000047  }
0xfd: {  	[bflag:$0x2] =	sbarrier.arrive $0xFFFF  }
0xfe: {  	s0 =	rddreg [dreg:$0x3]  }
0xff: {  	s0 =	sadd.s32 @!p0 $0x100000, s0  }
0x100: {  	[sflag:s0] =	ssyncadd.tile.s32 @!p0 $0x1;
	_ =	shalt  }
.Lfunc_end2:
_tile_overlayer_lowered:
.L_overlay_start_2:
0x101: {  	(tag) =	ssettag $0x2  }
0x102: {  	s0 =	rddreg [dreg:$0x0];
	s2 =	stileid.u32  }
0x103: {  	s1 =	rddreg [dreg:$0x1];
	p0 =	sne.s32 s2, $0x0  }
0x104: {  	s3 =	rddreg [dreg:$0x2];
	[bflag:$0x3] =	sbarrier.arrive $0xFFFF;
	s2 =	simm.s32 @!p0 $0x1C09  }
0x105: {  	[timem:s3], [sflag:s2] =	dma.local @!p0 [hbm:s0], s1  }
0x106: {  	s0 =	simm.s32 @!p0 $0x9  }
0x107: {  	_ =	swait.ge @!p0 [sflag:s0], s1  }
0x108: {  	s1 =	ssub.s32 @!p0 $0x0, s1;
	[sflag:s0] =	ssyncset.done @!p0 $0x0  }
0x109: {  	[sflag:s0] =	ssyncadd.s32 @!p0 s1  }
0x10a: {  	[bflag:$0x3] =	sbarrier.arrive $0xFFFF  }
0x10b: {  	_ =	shalt  }

</sc_bundles>
